<compile_context>
chip_gen: v7x
topology: tpu7x:2x2x1
jax: 0.10.2.dev20260603
libtpu: 0.0.44.dev20260713+nightly
codegen_flags: <defaults>
</compile_context>

<pallas_src>
import functools

import jax
import jax.numpy as jnp
from jax import lax
from jax.experimental import pallas as pl
from jax.experimental.pallas import tpu as pltpu
from jax.experimental.pallas import tpu_sc as plsc

VOCAB = 100000
EMB = 128
B = 4096
L = 50

_INFO = plsc.get_sparse_core_info()
NC = _INFO.num_cores
NS = _INFO.num_subcores
NW = NC * NS
TOTAL = B * L
BPW = TOTAL // NW
CHUNK = 128
NCH = BPW // CHUNK
NBUF = 6
LEAD = 4
EPI = (NCH - LEAD) % NBUF + LEAD

_mesh = plsc.VectorSubcoreMesh(core_axis_name="c", subcore_axis_name="s")


@functools.partial(
    pl.kernel,
    mesh=_mesh,
    out_type=jax.ShapeDtypeStruct((TOTAL, EMB), jnp.float32),
    scratch_types=[
        pltpu.VMEM((NCH, CHUNK), jnp.int32),
        pltpu.VMEM((NBUF, CHUNK, EMB), jnp.float32),
    ]
    + [pltpu.SemaphoreType.DMA] * (2 * NBUF),
)
def _gather_kernel(idx_hbm, table_hbm, out_hbm, idx_v, rows_v, *sems):
    gsem = sems[:NBUF]
    ssem = sems[NBUF:]
    wid = lax.axis_index("s") * NC + lax.axis_index("c")
    pltpu.sync_copy(idx_hbm.at[wid], idx_v)
    base = wid * BPW

    def fire_gather(g, b):
        pltpu.async_copy(table_hbm.at[idx_v.at[g]], rows_v.at[b], gsem[b])

    def wait_gather(g, b):
        pltpu.make_async_copy(
            table_hbm.at[idx_v.at[g]], rows_v.at[b], gsem[b]
        ).wait()

    def fire_store(g, b):
        pltpu.async_copy(
            rows_v.at[b], out_hbm.at[pl.ds(base + g * CHUNK, CHUNK)], ssem[b]
        )

    def wait_store(g, b):
        pltpu.make_async_copy(
            rows_v.at[b], out_hbm.at[pl.ds(base + g * CHUNK, CHUNK)], ssem[b]
        ).wait()

    def pre(g, b, with_wait):
        if with_wait:
            wait_store(g - NBUF, b)
        fire_gather(g, b)

    def post(g, b):
        wait_gather(g, b)
        fire_store(g, b)

    for g in range(LEAD):
        fire_gather(g, g % NBUF)
    for b in range(NBUF):
        g = b
        pre(g + LEAD, (g + LEAD) % NBUF, with_wait=(g + LEAD) >= NBUF)
        post(g, b)

    def body(q, carry):
        for b in range(NBUF):
            g = q * NBUF + b
            pre(g + LEAD, (b + LEAD) % NBUF, with_wait=True)
            post(g, b)
        return carry

    lax.fori_loop(1, (NCH - EPI) // NBUF, body, 0)

    for g in range(NCH - EPI, NCH):
        if g + LEAD < NCH:
            pre(g + LEAD, (g + LEAD) % NBUF, with_wait=True)
        post(g, g % NBUF)
    for g in range(NCH - NBUF, NCH):
        wait_store(g, g % NBUF)


def kernel(inp_word, inp_char, table):
    idx = inp_word.T.reshape(NW, NCH, CHUNK)
    x = _gather_kernel(idx, table)
    x = x.reshape(L, B, EMB).transpose(1, 0, 2)
    return (x, inp_word, inp_char)

# --- scband reference (transcript-rebuilt; emitter-appended) ---
"""Pipeline reference for scband-feed-forward-generator-69801808495239 (READ-ONLY COPY).

The authoritative reference and input builder live on the scoring server;
editing this copy changes nothing except your own understanding.
"""

import jax, jax.numpy as jnp
import numpy as np

VOCAB = 100000
EMB = 128
B = 4096
L = 50
MC = 16


def setup_inputs(seed: int = 0) -> dict:
    key = jax.random.key(seed)
    k1, k2, k3 = jax.random.split(key, 3)
    inp_word = jax.random.randint(k1, (B, L), 0, VOCAB, dtype=jnp.int64 if jax.config.jax_enable_x64 else jnp.int32).astype(jnp.int32)
    inp_char = jax.random.randint(k2, (B, L, MC), 0, 96, dtype=jnp.int32)
    table = jax.random.normal(k3, (VOCAB, EMB), dtype=jnp.float32)
    return {"inp_word": inp_word, "inp_char": inp_char, "table": table}


def reference(inp_word, inp_char, table):
    # FeedForwardGenerator.forward with activate_obf=False (default execution path):
    # x = self.word_embedd(inp_word); return (x, inp_word, inp_char)
    x = jnp.take(table, inp_word, axis=0)
    return (x, inp_word, inp_char)

if __name__ == "__main__":
    import jax
    _d = setup_inputs()
    print(jax.jit(kernel)(*tuple(_d.values())))

</pallas_src>

<mosaic_0001>
#map = affine_map<(d0, d1) -> (0, 0, 0)>
#map1 = affine_map<(d0, d1) -> (0, 0)>
module attributes {stable_mosaic.version = 14 : i64} {
  func.func @_gather_kernel(%arg0: i32, %arg1: i32, %arg2: memref<32x50x128xi32, #tpu.memory_space<hbm>>, %arg3: memref<100000x128xf32, #tpu.memory_space<hbm>>, %arg4: memref<204800x128xf32, #tpu.memory_space<hbm>>, %arg5: memref<50x128xi32, #tpu.memory_space<vmem>>, %arg6: memref<6x128x128xf32, #tpu.memory_space<vmem>>, %arg7: memref<!tpu.dma_semaphore, #tpu.memory_space<semaphore_mem>>, %arg8: memref<!tpu.dma_semaphore, #tpu.memory_space<semaphore_mem>>, %arg9: memref<!tpu.dma_semaphore, #tpu.memory_space<semaphore_mem>>, %arg10: memref<!tpu.dma_semaphore, #tpu.memory_space<semaphore_mem>>, %arg11: memref<!tpu.dma_semaphore, #tpu.memory_space<semaphore_mem>>, %arg12: memref<!tpu.dma_semaphore, #tpu.memory_space<semaphore_mem>>, %arg13: memref<!tpu.dma_semaphore, #tpu.memory_space<semaphore_mem>>, %arg14: memref<!tpu.dma_semaphore, #tpu.memory_space<semaphore_mem>>, %arg15: memref<!tpu.dma_semaphore, #tpu.memory_space<semaphore_mem>>, %arg16: memref<!tpu.dma_semaphore, #tpu.memory_space<semaphore_mem>>, %arg17: memref<!tpu.dma_semaphore, #tpu.memory_space<semaphore_mem>>, %arg18: memref<!tpu.dma_semaphore, #tpu.memory_space<semaphore_mem>>) attributes {dimension_semantics = [#tpu.dimension_semantics<core_parallel>, #tpu.dimension_semantics<subcore_parallel>], iteration_bounds = array<i64: 2, 16>, scalar_prefetch = 0 : i64, scratch_operands = 14 : i64, tpu.core_type = #tpu.core_type<sc_vector_subcore>, window_params = [{transform_indices = #map}, {transform_indices = #map1}, {transform_indices = #map1}]} {
    %mul3A = arith.constant 2 : i32
    %mul3A_0 = arith.muli %arg1, %mul3A : i32
    %add3A = arith.addi %mul3A_0, %arg0 : i32
    "tpu.region"() ({
      %run_scoped3A = tpu.sem_alloc : memref<!tpu.dma_semaphore, #tpu.memory_space<semaphore_mem>>
      %dma_start3A_762 = arith.constant 0 : i32
      %dma_start3A_763 = arith.constant 0 : i32
      %dma_start3A_764 = tpu.memref_slice %arg2[%add3A, %dma_start3A_762, %dma_start3A_763] : memref<32x50x128xi32, #tpu.memory_space<hbm>> -> memref<1x50x128xi32, #tpu.memory_space<hbm>>
      %dma_start3A_765 = tpu.memref_squeeze %dma_start3A_764 : memref<1x50x128xi32, #tpu.memory_space<hbm>> -> memref<50x128xi32, #tpu.memory_space<hbm>>
      %dma_start3A_766 = arith.constant 0 : i32
      %dma_start3A_767 = arith.constant 0 : i32
      %dma_start3A_768 = tpu.memref_slice %arg2[%add3A, %dma_start3A_766, %dma_start3A_767] : memref<32x50x128xi32, #tpu.memory_space<hbm>> -> memref<1x50x128xi32, #tpu.memory_space<hbm>>
      %dma_start3A_769 = tpu.memref_squeeze %dma_start3A_768 : memref<1x50x128xi32, #tpu.memory_space<hbm>> -> memref<50x128xi32, #tpu.memory_space<hbm>>
      tpu.enqueue_dma source(%dma_start3A_769 : memref<50x128xi32, #tpu.memory_space<hbm>>) target(%arg5 : memref<50x128xi32, #tpu.memory_space<vmem>>) target_semaphore(%run_scoped3A : memref<!tpu.dma_semaphore, #tpu.memory_space<semaphore_mem>>)
      %dma_wait3A_770 = arith.constant 0 : i32
      %dma_wait3A_771 = arith.constant 0 : i32
      %dma_wait3A_772 = tpu.memref_slice %arg2[%add3A, %dma_wait3A_770, %dma_wait3A_771] : memref<32x50x128xi32, #tpu.memory_space<hbm>> -> memref<1x50x128xi32, #tpu.memory_space<hbm>>
      %dma_wait3A_773 = tpu.memref_squeeze %dma_wait3A_772 : memref<1x50x128xi32, #tpu.memory_space<hbm>> -> memref<50x128xi32, #tpu.memory_space<hbm>>
      %dma_wait3A_774 = arith.constant 0 : i32
      %dma_wait3A_775 = arith.constant 0 : i32
      %dma_wait3A_776 = tpu.memref_slice %arg2[%add3A, %dma_wait3A_774, %dma_wait3A_775] : memref<32x50x128xi32, #tpu.memory_space<hbm>> -> memref<1x50x128xi32, #tpu.memory_space<hbm>>
      %dma_wait3A_777 = tpu.memref_squeeze %dma_wait3A_776 : memref<1x50x128xi32, #tpu.memory_space<hbm>> -> memref<50x128xi32, #tpu.memory_space<hbm>>
      tpu.wait_dma2 semaphore(%run_scoped3A : memref<!tpu.dma_semaphore, #tpu.memory_space<semaphore_mem>>) src(%dma_wait3A_777 : memref<50x128xi32, #tpu.memory_space<hbm>>) dst(%arg5 : memref<50x128xi32, #tpu.memory_space<vmem>>)
      tpu.yield
    }) : () -> ()
    %mul3A_1 = arith.constant 6400 : i32
    %mul3A_2 = arith.muli %add3A, %mul3A_1 : i32
    %dma_start3A = arith.constant 0 : i32
    %dma_start3A_3 = arith.constant 0 : i32
    %dma_start3A_4 = arith.constant 0 : i32
    %dma_start3A_5 = arith.constant 0 : i32
    %dma_start3A_6 = tpu.memref_slice %arg6[%dma_start3A_3, %dma_start3A_4, %dma_start3A_5] : memref<6x128x128xf32, #tpu.memory_space<vmem>> -> memref<1x128x128xf32, #tpu.memory_space<vmem>>
    %dma_start3A_7 = tpu.memref_squeeze %dma_start3A_6 : memref<1x128x128xf32, #tpu.memory_space<vmem>> -> memref<128x128xf32, #tpu.memory_space<vmem>>
    %dma_start3A_8 = arith.constant 0 : i32
    %dma_start3A_9 = tpu.memref_slice %arg5[%dma_start3A, %dma_start3A_8] : memref<50x128xi32, #tpu.memory_space<vmem>> -> memref<1x128xi32, #tpu.memory_space<vmem>>
    %dma_start3A_10 = tpu.memref_squeeze %dma_start3A_9 : memref<1x128xi32, #tpu.memory_space<vmem>> -> memref<128xi32, #tpu.memory_space<vmem>>
    %dma_start3A_11 = arith.constant 0 : i32
    %dma_start3A_12 = arith.constant 0 : i32
    %dma_start3A_13 = tpu.memref_slice %arg3[%dma_start3A_11, %dma_start3A_12] : memref<100000x128xf32, #tpu.memory_space<hbm>> -> memref<100000x128xf32, #tpu.memory_space<hbm>>
    tpu.enqueue_indirect_dma source(%dma_start3A_13 : memref<100000x128xf32, #tpu.memory_space<hbm>>) target(%dma_start3A_7 : memref<128x128xf32, #tpu.memory_space<vmem>>) offsets(%dma_start3A_10 : memref<128xi32, #tpu.memory_space<vmem>>) semaphore(%arg7 : memref<!tpu.dma_semaphore, #tpu.memory_space<semaphore_mem>>)
    %dma_start3A_14 = arith.constant 1 : i32
    %dma_start3A_15 = arith.constant 1 : i32
    %dma_start3A_16 = arith.constant 0 : i32
    %dma_start3A_17 = arith.constant 0 : i32
    %dma_start3A_18 = tpu.memref_slice %arg6[%dma_start3A_15, %dma_start3A_16, %dma_start3A_17] : memref<6x128x128xf32, #tpu.memory_space<vmem>> -> memref<1x128x128xf32, #tpu.memory_space<vmem>>
    %dma_start3A_19 = tpu.memref_squeeze %dma_start3A_18 : memref<1x128x128xf32, #tpu.memory_space<vmem>> -> memref<128x128xf32, #tpu.memory_space<vmem>>
    %dma_start3A_20 = arith.constant 0 : i32
    %dma_start3A_21 = tpu.memref_slice %arg5[%dma_start3A_14, %dma_start3A_20] : memref<50x128xi32, #tpu.memory_space<vmem>> -> memref<1x128xi32, #tpu.memory_space<vmem>>
    %dma_start3A_22 = tpu.memref_squeeze %dma_start3A_21 : memref<1x128xi32, #tpu.memory_space<vmem>> -> memref<128xi32, #tpu.memory_space<vmem>>
    %dma_start3A_23 = arith.constant 0 : i32
    %dma_start3A_24 = arith.constant 0 : i32
    %dma_start3A_25 = tpu.memref_slice %arg3[%dma_start3A_23, %dma_start3A_24] : memref<100000x128xf32, #tpu.memory_space<hbm>> -> memref<100000x128xf32, #tpu.memory_space<hbm>>
    tpu.enqueue_indirect_dma source(%dma_start3A_25 : memref<100000x128xf32, #tpu.memory_space<hbm>>) target(%dma_start3A_19 : memref<128x128xf32, #tpu.memory_space<vmem>>) offsets(%dma_start3A_22 : memref<128xi32, #tpu.memory_space<vmem>>) semaphore(%arg8 : memref<!tpu.dma_semaphore, #tpu.memory_space<semaphore_mem>>)
    %dma_start3A_26 = arith.constant 2 : i32
    %dma_start3A_27 = arith.constant 2 : i32
    %dma_start3A_28 = arith.constant 0 : i32
    %dma_start3A_29 = arith.constant 0 : i32
    %dma_start3A_30 = tpu.memref_slice %arg6[%dma_start3A_27, %dma_start3A_28, %dma_start3A_29] : memref<6x128x128xf32, #tpu.memory_space<vmem>> -> memref<1x128x128xf32, #tpu.memory_space<vmem>>
    %dma_start3A_31 = tpu.memref_squeeze %dma_start3A_30 : memref<1x128x128xf32, #tpu.memory_space<vmem>> -> memref<128x128xf32, #tpu.memory_space<vmem>>
    %dma_start3A_32 = arith.constant 0 : i32
    %dma_start3A_33 = tpu.memref_slice %arg5[%dma_start3A_26, %dma_start3A_32] : memref<50x128xi32, #tpu.memory_space<vmem>> -> memref<1x128xi32, #tpu.memory_space<vmem>>
    %dma_start3A_34 = tpu.memref_squeeze %dma_start3A_33 : memref<1x128xi32, #tpu.memory_space<vmem>> -> memref<128xi32, #tpu.memory_space<vmem>>
    %dma_start3A_35 = arith.constant 0 : i32
    %dma_start3A_36 = arith.constant 0 : i32
    %dma_start3A_37 = tpu.memref_slice %arg3[%dma_start3A_35, %dma_start3A_36] : memref<100000x128xf32, #tpu.memory_space<hbm>> -> memref<100000x128xf32, #tpu.memory_space<hbm>>
    tpu.enqueue_indirect_dma source(%dma_start3A_37 : memref<100000x128xf32, #tpu.memory_space<hbm>>) target(%dma_start3A_31 : memref<128x128xf32, #tpu.memory_space<vmem>>) offsets(%dma_start3A_34 : memref<128xi32, #tpu.memory_space<vmem>>) semaphore(%arg9 : memref<!tpu.dma_semaphore, #tpu.memory_space<semaphore_mem>>)
    %dma_start3A_38 = arith.constant 3 : i32
    %dma_start3A_39 = arith.constant 3 : i32
    %dma_start3A_40 = arith.constant 0 : i32
    %dma_start3A_41 = arith.constant 0 : i32
    %dma_start3A_42 = tpu.memref_slice %arg6[%dma_start3A_39, %dma_start3A_40, %dma_start3A_41] : memref<6x128x128xf32, #tpu.memory_space<vmem>> -> memref<1x128x128xf32, #tpu.memory_space<vmem>>
    %dma_start3A_43 = tpu.memref_squeeze %dma_start3A_42 : memref<1x128x128xf32, #tpu.memory_space<vmem>> -> memref<128x128xf32, #tpu.memory_space<vmem>>
    %dma_start3A_44 = arith.constant 0 : i32
    %dma_start3A_45 = tpu.memref_slice %arg5[%dma_start3A_38, %dma_start3A_44] : memref<50x128xi32, #tpu.memory_space<vmem>> -> memref<1x128xi32, #tpu.memory_space<vmem>>
    %dma_start3A_46 = tpu.memref_squeeze %dma_start3A_45 : memref<1x128xi32, #tpu.memory_space<vmem>> -> memref<128xi32, #tpu.memory_space<vmem>>
    %dma_start3A_47 = arith.constant 0 : i32
    %dma_start3A_48 = arith.constant 0 : i32
    %dma_start3A_49 = tpu.memref_slice %arg3[%dma_start3A_47, %dma_start3A_48] : memref<100000x128xf32, #tpu.memory_space<hbm>> -> memref<100000x128xf32, #tpu.memory_space<hbm>>
    tpu.enqueue_indirect_dma source(%dma_start3A_49 : memref<100000x128xf32, #tpu.memory_space<hbm>>) target(%dma_start3A_43 : memref<128x128xf32, #tpu.memory_space<vmem>>) offsets(%dma_start3A_46 : memref<128xi32, #tpu.memory_space<vmem>>) semaphore(%arg10 : memref<!tpu.dma_semaphore, #tpu.memory_space<semaphore_mem>>)
    %dma_start3A_50 = arith.constant 4 : i32
    %dma_start3A_51 = arith.constant 4 : i32
    %dma_start3A_52 = arith.constant 0 : i32
    %dma_start3A_53 = arith.constant 0 : i32
    %dma_start3A_54 = tpu.memref_slice %arg6[%dma_start3A_51, %dma_start3A_52, %dma_start3A_53] : memref<6x128x128xf32, #tpu.memory_space<vmem>> -> memref<1x128x128xf32, #tpu.memory_space<vmem>>
    %dma_start3A_55 = tpu.memref_squeeze %dma_start3A_54 : memref<1x128x128xf32, #tpu.memory_space<vmem>> -> memref<128x128xf32, #tpu.memory_space<vmem>>
    %dma_start3A_56 = arith.constant 0 : i32
    %dma_start3A_57 = tpu.memref_slice %arg5[%dma_start3A_50, %dma_start3A_56] : memref<50x128xi32, #tpu.memory_space<vmem>> -> memref<1x128xi32, #tpu.memory_space<vmem>>
    %dma_start3A_58 = tpu.memref_squeeze %dma_start3A_57 : memref<1x128xi32, #tpu.memory_space<vmem>> -> memref<128xi32, #tpu.memory_space<vmem>>
    %dma_start3A_59 = arith.constant 0 : i32
    %dma_start3A_60 = arith.constant 0 : i32
    %dma_start3A_61 = tpu.memref_slice %arg3[%dma_start3A_59, %dma_start3A_60] : memref<100000x128xf32, #tpu.memory_space<hbm>> -> memref<100000x128xf32, #tpu.memory_space<hbm>>
    tpu.enqueue_indirect_dma source(%dma_start3A_61 : memref<100000x128xf32, #tpu.memory_space<hbm>>) target(%dma_start3A_55 : memref<128x128xf32, #tpu.memory_space<vmem>>) offsets(%dma_start3A_58 : memref<128xi32, #tpu.memory_space<vmem>>) semaphore(%arg11 : memref<!tpu.dma_semaphore, #tpu.memory_space<semaphore_mem>>)
    %dma_wait3A = arith.constant 0 : i32
    %dma_wait3A_62 = arith.constant 0 : i32
    %dma_wait3A_63 = arith.constant 0 : i32
    %dma_wait3A_64 = arith.constant 0 : i32
    %dma_wait3A_65 = tpu.memref_slice %arg6[%dma_wait3A_62, %dma_wait3A_63, %dma_wait3A_64] : memref<6x128x128xf32, #tpu.memory_space<vmem>> -> memref<1x128x128xf32, #tpu.memory_space<vmem>>
    %dma_wait3A_66 = tpu.memref_squeeze %dma_wait3A_65 : memref<1x128x128xf32, #tpu.memory_space<vmem>> -> memref<128x128xf32, #tpu.memory_space<vmem>>
    %dma_wait3A_67 = arith.constant 0 : i32
    %dma_wait3A_68 = tpu.memref_slice %arg5[%dma_wait3A, %dma_wait3A_67] : memref<50x128xi32, #tpu.memory_space<vmem>> -> memref<1x128xi32, #tpu.memory_space<vmem>>
    %dma_wait3A_69 = tpu.memref_squeeze %dma_wait3A_68 : memref<1x128xi32, #tpu.memory_space<vmem>> -> memref<128xi32, #tpu.memory_space<vmem>>
    %dma_wait3A_70 = arith.constant 0 : i32
    %dma_wait3A_71 = arith.constant 0 : i32
    %dma_wait3A_72 = tpu.memref_slice %arg3[%dma_wait3A_70, %dma_wait3A_71] : memref<100000x128xf32, #tpu.memory_space<hbm>> -> memref<100000x128xf32, #tpu.memory_space<hbm>>
    tpu.wait_indirect_dma semaphore(%arg7 : memref<!tpu.dma_semaphore, #tpu.memory_space<semaphore_mem>>) src(%dma_wait3A_72 : memref<100000x128xf32, #tpu.memory_space<hbm>>) dst(%dma_wait3A_66 : memref<128x128xf32, #tpu.memory_space<vmem>>)
    %add3A_73 = arith.constant 0 : i32
    %add3A_74 = arith.addi %mul3A_2, %add3A_73 : i32
    %dma_start3A_75 = arith.constant 0 : i32
    %dma_start3A_76 = arith.constant 0 : i32
    %dma_start3A_77 = arith.constant 0 : i32
    %dma_start3A_78 = tpu.memref_slice %arg6[%dma_start3A_75, %dma_start3A_76, %dma_start3A_77] : memref<6x128x128xf32, #tpu.memory_space<vmem>> -> memref<1x128x128xf32, #tpu.memory_space<vmem>>
    %dma_start3A_79 = tpu.memref_squeeze %dma_start3A_78 : memref<1x128x128xf32, #tpu.memory_space<vmem>> -> memref<128x128xf32, #tpu.memory_space<vmem>>
    %dma_start3A_80 = arith.constant 0 : i32
    %dma_start3A_81 = tpu.memref_slice %arg4[%add3A_74, %dma_start3A_80] : memref<204800x128xf32, #tpu.memory_space<hbm>> -> memref<128x128xf32, #tpu.memory_space<hbm>>
    %dma_start3A_82 = arith.constant 0 : i32
    %dma_start3A_83 = tpu.memref_slice %arg4[%add3A_74, %dma_start3A_82] : memref<204800x128xf32, #tpu.memory_space<hbm>> -> memref<128x128xf32, #tpu.memory_space<hbm>>
    %dma_start3A_84 = arith.constant 0 : i32
    %dma_start3A_85 = arith.constant 0 : i32
    %dma_start3A_86 = tpu.memref_slice %arg6[%dma_start3A_75, %dma_start3A_84, %dma_start3A_85] : memref<6x128x128xf32, #tpu.memory_space<vmem>> -> memref<1x128x128xf32, #tpu.memory_space<vmem>>
    %dma_start3A_87 = tpu.memref_squeeze %dma_start3A_86 : memref<1x128x128xf32, #tpu.memory_space<vmem>> -> memref<128x128xf32, #tpu.memory_space<vmem>>
    tpu.enqueue_dma source(%dma_start3A_87 : memref<128x128xf32, #tpu.memory_space<vmem>>) target(%dma_start3A_83 : memref<128x128xf32, #tpu.memory_space<hbm>>) target_semaphore(%arg13 : memref<!tpu.dma_semaphore, #tpu.memory_space<semaphore_mem>>)
    %dma_start3A_88 = arith.constant 5 : i32
    %dma_start3A_89 = arith.constant 5 : i32
    %dma_start3A_90 = arith.constant 0 : i32
    %dma_start3A_91 = arith.constant 0 : i32
    %dma_start3A_92 = tpu.memref_slice %arg6[%dma_start3A_89, %dma_start3A_90, %dma_start3A_91] : memref<6x128x128xf32, #tpu.memory_space<vmem>> -> memref<1x128x128xf32, #tpu.memory_space<vmem>>
    %dma_start3A_93 = tpu.memref_squeeze %dma_start3A_92 : memref<1x128x128xf32, #tpu.memory_space<vmem>> -> memref<128x128xf32, #tpu.memory_space<vmem>>
    %dma_start3A_94 = arith.constant 0 : i32
    %dma_start3A_95 = tpu.memref_slice %arg5[%dma_start3A_88, %dma_start3A_94] : memref<50x128xi32, #tpu.memory_space<vmem>> -> memref<1x128xi32, #tpu.memory_space<vmem>>
    %dma_start3A_96 = tpu.memref_squeeze %dma_start3A_95 : memref<1x128xi32, #tpu.memory_space<vmem>> -> memref<128xi32, #tpu.memory_space<vmem>>
    %dma_start3A_97 = arith.constant 0 : i32
    %dma_start3A_98 = arith.constant 0 : i32
    %dma_start3A_99 = tpu.memref_slice %arg3[%dma_start3A_97, %dma_start3A_98] : memref<100000x128xf32, #tpu.memory_space<hbm>> -> memref<100000x128xf32, #tpu.memory_space<hbm>>
    tpu.enqueue_indirect_dma source(%dma_start3A_99 : memref<100000x128xf32, #tpu.memory_space<hbm>>) target(%dma_start3A_93 : memref<128x128xf32, #tpu.memory_space<vmem>>) offsets(%dma_start3A_96 : memref<128xi32, #tpu.memory_space<vmem>>) semaphore(%arg12 : memref<!tpu.dma_semaphore, #tpu.memory_space<semaphore_mem>>)
    %dma_wait3A_100 = arith.constant 1 : i32
    %dma_wait3A_101 = arith.constant 1 : i32
    %dma_wait3A_102 = arith.constant 0 : i32
    %dma_wait3A_103 = arith.constant 0 : i32
    %dma_wait3A_104 = tpu.memref_slice %arg6[%dma_wait3A_101, %dma_wait3A_102, %dma_wait3A_103] : memref<6x128x128xf32, #tpu.memory_space<vmem>> -> memref<1x128x128xf32, #tpu.memory_space<vmem>>
    %dma_wait3A_105 = tpu.memref_squeeze %dma_wait3A_104 : memref<1x128x128xf32, #tpu.memory_space<vmem>> -> memref<128x128xf32, #tpu.memory_space<vmem>>
    %dma_wait3A_106 = arith.constant 0 : i32
    %dma_wait3A_107 = tpu.memref_slice %arg5[%dma_wait3A_100, %dma_wait3A_106] : memref<50x128xi32, #tpu.memory_space<vmem>> -> memref<1x128xi32, #tpu.memory_space<vmem>>
    %dma_wait3A_108 = tpu.memref_squeeze %dma_wait3A_107 : memref<1x128xi32, #tpu.memory_space<vmem>> -> memref<128xi32, #tpu.memory_space<vmem>>
    %dma_wait3A_109 = arith.constant 0 : i32
    %dma_wait3A_110 = arith.constant 0 : i32
    %dma_wait3A_111 = tpu.memref_slice %arg3[%dma_wait3A_109, %dma_wait3A_110] : memref<100000x128xf32, #tpu.memory_space<hbm>> -> memref<100000x128xf32, #tpu.memory_space<hbm>>
    tpu.wait_indirect_dma semaphore(%arg8 : memref<!tpu.dma_semaphore, #tpu.memory_space<semaphore_mem>>) src(%dma_wait3A_111 : memref<100000x128xf32, #tpu.memory_space<hbm>>) dst(%dma_wait3A_105 : memref<128x128xf32, #tpu.memory_space<vmem>>)
    %add3A_112 = arith.constant 128 : i32
    %add3A_113 = arith.addi %mul3A_2, %add3A_112 : i32
    %dma_start3A_114 = arith.constant 1 : i32
    %dma_start3A_115 = arith.constant 0 : i32
    %dma_start3A_116 = arith.constant 0 : i32
    %dma_start3A_117 = tpu.memref_slice %arg6[%dma_start3A_114, %dma_start3A_115, %dma_start3A_116] : memref<6x128x128xf32, #tpu.memory_space<vmem>> -> memref<1x128x128xf32, #tpu.memory_space<vmem>>
    %dma_start3A_118 = tpu.memref_squeeze %dma_start3A_117 : memref<1x128x128xf32, #tpu.memory_space<vmem>> -> memref<128x128xf32, #tpu.memory_space<vmem>>
    %dma_start3A_119 = arith.constant 0 : i32
    %dma_start3A_120 = tpu.memref_slice %arg4[%add3A_113, %dma_start3A_119] : memref<204800x128xf32, #tpu.memory_space<hbm>> -> memref<128x128xf32, #tpu.memory_space<hbm>>
    %dma_start3A_121 = arith.constant 0 : i32
    %dma_start3A_122 = tpu.memref_slice %arg4[%add3A_113, %dma_start3A_121] : memref<204800x128xf32, #tpu.memory_space<hbm>> -> memref<128x128xf32, #tpu.memory_space<hbm>>
    %dma_start3A_123 = arith.constant 0 : i32
    %dma_start3A_124 = arith.constant 0 : i32
    %dma_start3A_125 = tpu.memref_slice %arg6[%dma_start3A_114, %dma_start3A_123, %dma_start3A_124] : memref<6x128x128xf32, #tpu.memory_space<vmem>> -> memref<1x128x128xf32, #tpu.memory_space<vmem>>
    %dma_start3A_126 = tpu.memref_squeeze %dma_start3A_125 : memref<1x128x128xf32, #tpu.memory_space<vmem>> -> memref<128x128xf32, #tpu.memory_space<vmem>>
    tpu.enqueue_dma source(%dma_start3A_126 : memref<128x128xf32, #tpu.memory_space<vmem>>) target(%dma_start3A_122 : memref<128x128xf32, #tpu.memory_space<hbm>>) target_semaphore(%arg14 : memref<!tpu.dma_semaphore, #tpu.memory_space<semaphore_mem>>)
    %add3A_127 = arith.constant 0 : i32
    %add3A_128 = arith.addi %mul3A_2, %add3A_127 : i32
    %dma_wait3A_129 = arith.constant 0 : i32
    %dma_wait3A_130 = arith.constant 0 : i32
    %dma_wait3A_131 = arith.constant 0 : i32
    %dma_wait3A_132 = tpu.memref_slice %arg6[%dma_wait3A_129, %dma_wait3A_130, %dma_wait3A_131] : memref<6x128x128xf32, #tpu.memory_space<vmem>> -> memref<1x128x128xf32, #tpu.memory_space<vmem>>
    %dma_wait3A_133 = tpu.memref_squeeze %dma_wait3A_132 : memref<1x128x128xf32, #tpu.memory_space<vmem>> -> memref<128x128xf32, #tpu.memory_space<vmem>>
    %dma_wait3A_134 = arith.constant 0 : i32
    %dma_wait3A_135 = tpu.memref_slice %arg4[%add3A_128, %dma_wait3A_134] : memref<204800x128xf32, #tpu.memory_space<hbm>> -> memref<128x128xf32, #tpu.memory_space<hbm>>
    %dma_wait3A_136 = arith.constant 0 : i32
    %dma_wait3A_137 = tpu.memref_slice %arg4[%add3A_128, %dma_wait3A_136] : memref<204800x128xf32, #tpu.memory_space<hbm>> -> memref<128x128xf32, #tpu.memory_space<hbm>>
    %dma_wait3A_138 = arith.constant 0 : i32
    %dma_wait3A_139 = arith.constant 0 : i32
    %dma_wait3A_140 = tpu.memref_slice %arg6[%dma_wait3A_129, %dma_wait3A_138, %dma_wait3A_139] : memref<6x128x128xf32, #tpu.memory_space<vmem>> -> memref<1x128x128xf32, #tpu.memory_space<vmem>>
    %dma_wait3A_141 = tpu.memref_squeeze %dma_wait3A_140 : memref<1x128x128xf32, #tpu.memory_space<vmem>> -> memref<128x128xf32, #tpu.memory_space<vmem>>
    tpu.wait_dma2 semaphore(%arg13 : memref<!tpu.dma_semaphore, #tpu.memory_space<semaphore_mem>>) src(%dma_wait3A_141 : memref<128x128xf32, #tpu.memory_space<vmem>>) dst(%dma_wait3A_137 : memref<128x128xf32, #tpu.memory_space<hbm>>)
    %dma_start3A_142 = arith.constant 6 : i32
    %dma_start3A_143 = arith.constant 0 : i32
    %dma_start3A_144 = arith.constant 0 : i32
    %dma_start3A_145 = arith.constant 0 : i32
    %dma_start3A_146 = tpu.memref_slice %arg6[%dma_start3A_143, %dma_start3A_144, %dma_start3A_145] : memref<6x128x128xf32, #tpu.memory_space<vmem>> -> memref<1x128x128xf32, #tpu.memory_space<vmem>>
    %dma_start3A_147 = tpu.memref_squeeze %dma_start3A_146 : memref<1x128x128xf32, #tpu.memory_space<vmem>> -> memref<128x128xf32, #tpu.memory_space<vmem>>
    %dma_start3A_148 = arith.constant 0 : i32
    %dma_start3A_149 = tpu.memref_slice %arg5[%dma_start3A_142, %dma_start3A_148] : memref<50x128xi32, #tpu.memory_space<vmem>> -> memref<1x128xi32, #tpu.memory_space<vmem>>
    %dma_start3A_150 = tpu.memref_squeeze %dma_start3A_149 : memref<1x128xi32, #tpu.memory_space<vmem>> -> memref<128xi32, #tpu.memory_space<vmem>>
    %dma_start3A_151 = arith.constant 0 : i32
    %dma_start3A_152 = arith.constant 0 : i32
    %dma_start3A_153 = tpu.memref_slice %arg3[%dma_start3A_151, %dma_start3A_152] : memref<100000x128xf32, #tpu.memory_space<hbm>> -> memref<100000x128xf32, #tpu.memory_space<hbm>>
    tpu.enqueue_indirect_dma source(%dma_start3A_153 : memref<100000x128xf32, #tpu.memory_space<hbm>>) target(%dma_start3A_147 : memref<128x128xf32, #tpu.memory_space<vmem>>) offsets(%dma_start3A_150 : memref<128xi32, #tpu.memory_space<vmem>>) semaphore(%arg7 : memref<!tpu.dma_semaphore, #tpu.memory_space<semaphore_mem>>)
    %dma_wait3A_154 = arith.constant 2 : i32
    %dma_wait3A_155 = arith.constant 2 : i32
    %dma_wait3A_156 = arith.constant 0 : i32
    %dma_wait3A_157 = arith.constant 0 : i32
    %dma_wait3A_158 = tpu.memref_slice %arg6[%dma_wait3A_155, %dma_wait3A_156, %dma_wait3A_157] : memref<6x128x128xf32, #tpu.memory_space<vmem>> -> memref<1x128x128xf32, #tpu.memory_space<vmem>>
    %dma_wait3A_159 = tpu.memref_squeeze %dma_wait3A_158 : memref<1x128x128xf32, #tpu.memory_space<vmem>> -> memref<128x128xf32, #tpu.memory_space<vmem>>
    %dma_wait3A_160 = arith.constant 0 : i32
    %dma_wait3A_161 = tpu.memref_slice %arg5[%dma_wait3A_154, %dma_wait3A_160] : memref<50x128xi32, #tpu.memory_space<vmem>> -> memref<1x128xi32, #tpu.memory_space<vmem>>
    %dma_wait3A_162 = tpu.memref_squeeze %dma_wait3A_161 : memref<1x128xi32, #tpu.memory_space<vmem>> -> memref<128xi32, #tpu.memory_space<vmem>>
    %dma_wait3A_163 = arith.constant 0 : i32
    %dma_wait3A_164 = arith.constant 0 : i32
    %dma_wait3A_165 = tpu.memref_slice %arg3[%dma_wait3A_163, %dma_wait3A_164] : memref<100000x128xf32, #tpu.memory_space<hbm>> -> memref<100000x128xf32, #tpu.memory_space<hbm>>
    tpu.wait_indirect_dma semaphore(%arg9 : memref<!tpu.dma_semaphore, #tpu.memory_space<semaphore_mem>>) src(%dma_wait3A_165 : memref<100000x128xf32, #tpu.memory_space<hbm>>) dst(%dma_wait3A_159 : memref<128x128xf32, #tpu.memory_space<vmem>>)
    %add3A_166 = arith.constant 256 : i32
    %add3A_167 = arith.addi %mul3A_2, %add3A_166 : i32
    %dma_start3A_168 = arith.constant 2 : i32
    %dma_start3A_169 = arith.constant 0 : i32
    %dma_start3A_170 = arith.constant 0 : i32
    %dma_start3A_171 = tpu.memref_slice %arg6[%dma_start3A_168, %dma_start3A_169, %dma_start3A_170] : memref<6x128x128xf32, #tpu.memory_space<vmem>> -> memref<1x128x128xf32, #tpu.memory_space<vmem>>
    %dma_start3A_172 = tpu.memref_squeeze %dma_start3A_171 : memref<1x128x128xf32, #tpu.memory_space<vmem>> -> memref<128x128xf32, #tpu.memory_space<vmem>>
    %dma_start3A_173 = arith.constant 0 : i32
    %dma_start3A_174 = tpu.memref_slice %arg4[%add3A_167, %dma_start3A_173] : memref<204800x128xf32, #tpu.memory_space<hbm>> -> memref<128x128xf32, #tpu.memory_space<hbm>>
    %dma_start3A_175 = arith.constant 0 : i32
    %dma_start3A_176 = tpu.memref_slice %arg4[%add3A_167, %dma_start3A_175] : memref<204800x128xf32, #tpu.memory_space<hbm>> -> memref<128x128xf32, #tpu.memory_space<hbm>>
    %dma_start3A_177 = arith.constant 0 : i32
    %dma_start3A_178 = arith.constant 0 : i32
    %dma_start3A_179 = tpu.memref_slice %arg6[%dma_start3A_168, %dma_start3A_177, %dma_start3A_178] : memref<6x128x128xf32, #tpu.memory_space<vmem>> -> memref<1x128x128xf32, #tpu.memory_space<vmem>>
    %dma_start3A_180 = tpu.memref_squeeze %dma_start3A_179 : memref<1x128x128xf32, #tpu.memory_space<vmem>> -> memref<128x128xf32, #tpu.memory_space<vmem>>
    tpu.enqueue_dma source(%dma_start3A_180 : memref<128x128xf32, #tpu.memory_space<vmem>>) target(%dma_start3A_176 : memref<128x128xf32, #tpu.memory_space<hbm>>) target_semaphore(%arg15 : memref<!tpu.dma_semaphore, #tpu.memory_space<semaphore_mem>>)
    %add3A_181 = arith.constant 128 : i32
    %add3A_182 = arith.addi %mul3A_2, %add3A_181 : i32
    %dma_wait3A_183 = arith.constant 1 : i32
    %dma_wait3A_184 = arith.constant 0 : i32
    %dma_wait3A_185 = arith.constant 0 : i32
    %dma_wait3A_186 = tpu.memref_slice %arg6[%dma_wait3A_183, %dma_wait3A_184, %dma_wait3A_185] : memref<6x128x128xf32, #tpu.memory_space<vmem>> -> memref<1x128x128xf32, #tpu.memory_space<vmem>>
    %dma_wait3A_187 = tpu.memref_squeeze %dma_wait3A_186 : memref<1x128x128xf32, #tpu.memory_space<vmem>> -> memref<128x128xf32, #tpu.memory_space<vmem>>
    %dma_wait3A_188 = arith.constant 0 : i32
    %dma_wait3A_189 = tpu.memref_slice %arg4[%add3A_182, %dma_wait3A_188] : memref<204800x128xf32, #tpu.memory_space<hbm>> -> memref<128x128xf32, #tpu.memory_space<hbm>>
    %dma_wait3A_190 = arith.constant 0 : i32
    %dma_wait3A_191 = tpu.memref_slice %arg4[%add3A_182, %dma_wait3A_190] : memref<204800x128xf32, #tpu.memory_space<hbm>> -> memref<128x128xf32, #tpu.memory_space<hbm>>
    %dma_wait3A_192 = arith.constant 0 : i32
    %dma_wait3A_193 = arith.constant 0 : i32
    %dma_wait3A_194 = tpu.memref_slice %arg6[%dma_wait3A_183, %dma_wait3A_192, %dma_wait3A_193] : memref<6x128x128xf32, #tpu.memory_space<vmem>> -> memref<1x128x128xf32, #tpu.memory_space<vmem>>
    %dma_wait3A_195 = tpu.memref_squeeze %dma_wait3A_194 : memref<1x128x128xf32, #tpu.memory_space<vmem>> -> memref<128x128xf32, #tpu.memory_space<vmem>>
    tpu.wait_dma2 semaphore(%arg14 : memref<!tpu.dma_semaphore, #tpu.memory_space<semaphore_mem>>) src(%dma_wait3A_195 : memref<128x128xf32, #tpu.memory_space<vmem>>) dst(%dma_wait3A_191 : memref<128x128xf32, #tpu.memory_space<hbm>>)
    %dma_start3A_196 = arith.constant 7 : i32
    %dma_start3A_197 = arith.constant 1 : i32
    %dma_start3A_198 = arith.constant 0 : i32
    %dma_start3A_199 = arith.constant 0 : i32
    %dma_start3A_200 = tpu.memref_slice %arg6[%dma_start3A_197, %dma_start3A_198, %dma_start3A_199] : memref<6x128x128xf32, #tpu.memory_space<vmem>> -> memref<1x128x128xf32, #tpu.memory_space<vmem>>
    %dma_start3A_201 = tpu.memref_squeeze %dma_start3A_200 : memref<1x128x128xf32, #tpu.memory_space<vmem>> -> memref<128x128xf32, #tpu.memory_space<vmem>>
    %dma_start3A_202 = arith.constant 0 : i32
    %dma_start3A_203 = tpu.memref_slice %arg5[%dma_start3A_196, %dma_start3A_202] : memref<50x128xi32, #tpu.memory_space<vmem>> -> memref<1x128xi32, #tpu.memory_space<vmem>>
    %dma_start3A_204 = tpu.memref_squeeze %dma_start3A_203 : memref<1x128xi32, #tpu.memory_space<vmem>> -> memref<128xi32, #tpu.memory_space<vmem>>
    %dma_start3A_205 = arith.constant 0 : i32
    %dma_start3A_206 = arith.constant 0 : i32
    %dma_start3A_207 = tpu.memref_slice %arg3[%dma_start3A_205, %dma_start3A_206] : memref<100000x128xf32, #tpu.memory_space<hbm>> -> memref<100000x128xf32, #tpu.memory_space<hbm>>
    tpu.enqueue_indirect_dma source(%dma_start3A_207 : memref<100000x128xf32, #tpu.memory_space<hbm>>) target(%dma_start3A_201 : memref<128x128xf32, #tpu.memory_space<vmem>>) offsets(%dma_start3A_204 : memref<128xi32, #tpu.memory_space<vmem>>) semaphore(%arg8 : memref<!tpu.dma_semaphore, #tpu.memory_space<semaphore_mem>>)
    %dma_wait3A_208 = arith.constant 3 : i32
    %dma_wait3A_209 = arith.constant 3 : i32
    %dma_wait3A_210 = arith.constant 0 : i32
    %dma_wait3A_211 = arith.constant 0 : i32
    %dma_wait3A_212 = tpu.memref_slice %arg6[%dma_wait3A_209, %dma_wait3A_210, %dma_wait3A_211] : memref<6x128x128xf32, #tpu.memory_space<vmem>> -> memref<1x128x128xf32, #tpu.memory_space<vmem>>
    %dma_wait3A_213 = tpu.memref_squeeze %dma_wait3A_212 : memref<1x128x128xf32, #tpu.memory_space<vmem>> -> memref<128x128xf32, #tpu.memory_space<vmem>>
    %dma_wait3A_214 = arith.constant 0 : i32
    %dma_wait3A_215 = tpu.memref_slice %arg5[%dma_wait3A_208, %dma_wait3A_214] : memref<50x128xi32, #tpu.memory_space<vmem>> -> memref<1x128xi32, #tpu.memory_space<vmem>>
    %dma_wait3A_216 = tpu.memref_squeeze %dma_wait3A_215 : memref<1x128xi32, #tpu.memory_space<vmem>> -> memref<128xi32, #tpu.memory_space<vmem>>
    %dma_wait3A_217 = arith.constant 0 : i32
    %dma_wait3A_218 = arith.constant 0 : i32
    %dma_wait3A_219 = tpu.memref_slice %arg3[%dma_wait3A_217, %dma_wait3A_218] : memref<100000x128xf32, #tpu.memory_space<hbm>> -> memref<100000x128xf32, #tpu.memory_space<hbm>>
    tpu.wait_indirect_dma semaphore(%arg10 : memref<!tpu.dma_semaphore, #tpu.memory_space<semaphore_mem>>) src(%dma_wait3A_219 : memref<100000x128xf32, #tpu.memory_space<hbm>>) dst(%dma_wait3A_213 : memref<128x128xf32, #tpu.memory_space<vmem>>)
    %add3A_220 = arith.constant 384 : i32
    %add3A_221 = arith.addi %mul3A_2, %add3A_220 : i32
    %dma_start3A_222 = arith.constant 3 : i32
    %dma_start3A_223 = arith.constant 0 : i32
    %dma_start3A_224 = arith.constant 0 : i32
    %dma_start3A_225 = tpu.memref_slice %arg6[%dma_start3A_222, %dma_start3A_223, %dma_start3A_224] : memref<6x128x128xf32, #tpu.memory_space<vmem>> -> memref<1x128x128xf32, #tpu.memory_space<vmem>>
    %dma_start3A_226 = tpu.memref_squeeze %dma_start3A_225 : memref<1x128x128xf32, #tpu.memory_space<vmem>> -> memref<128x128xf32, #tpu.memory_space<vmem>>
    %dma_start3A_227 = arith.constant 0 : i32
    %dma_start3A_228 = tpu.memref_slice %arg4[%add3A_221, %dma_start3A_227] : memref<204800x128xf32, #tpu.memory_space<hbm>> -> memref<128x128xf32, #tpu.memory_space<hbm>>
    %dma_start3A_229 = arith.constant 0 : i32
    %dma_start3A_230 = tpu.memref_slice %arg4[%add3A_221, %dma_start3A_229] : memref<204800x128xf32, #tpu.memory_space<hbm>> -> memref<128x128xf32, #tpu.memory_space<hbm>>
    %dma_start3A_231 = arith.constant 0 : i32
    %dma_start3A_232 = arith.constant 0 : i32
    %dma_start3A_233 = tpu.memref_slice %arg6[%dma_start3A_222, %dma_start3A_231, %dma_start3A_232] : memref<6x128x128xf32, #tpu.memory_space<vmem>> -> memref<1x128x128xf32, #tpu.memory_space<vmem>>
    %dma_start3A_234 = tpu.memref_squeeze %dma_start3A_233 : memref<1x128x128xf32, #tpu.memory_space<vmem>> -> memref<128x128xf32, #tpu.memory_space<vmem>>
    tpu.enqueue_dma source(%dma_start3A_234 : memref<128x128xf32, #tpu.memory_space<vmem>>) target(%dma_start3A_230 : memref<128x128xf32, #tpu.memory_space<hbm>>) target_semaphore(%arg16 : memref<!tpu.dma_semaphore, #tpu.memory_space<semaphore_mem>>)
    %add3A_235 = arith.constant 256 : i32
    %add3A_236 = arith.addi %mul3A_2, %add3A_235 : i32
    %dma_wait3A_237 = arith.constant 2 : i32
    %dma_wait3A_238 = arith.constant 0 : i32
    %dma_wait3A_239 = arith.constant 0 : i32
    %dma_wait3A_240 = tpu.memref_slice %arg6[%dma_wait3A_237, %dma_wait3A_238, %dma_wait3A_239] : memref<6x128x128xf32, #tpu.memory_space<vmem>> -> memref<1x128x128xf32, #tpu.memory_space<vmem>>
    %dma_wait3A_241 = tpu.memref_squeeze %dma_wait3A_240 : memref<1x128x128xf32, #tpu.memory_space<vmem>> -> memref<128x128xf32, #tpu.memory_space<vmem>>
    %dma_wait3A_242 = arith.constant 0 : i32
    %dma_wait3A_243 = tpu.memref_slice %arg4[%add3A_236, %dma_wait3A_242] : memref<204800x128xf32, #tpu.memory_space<hbm>> -> memref<128x128xf32, #tpu.memory_space<hbm>>
    %dma_wait3A_244 = arith.constant 0 : i32
    %dma_wait3A_245 = tpu.memref_slice %arg4[%add3A_236, %dma_wait3A_244] : memref<204800x128xf32, #tpu.memory_space<hbm>> -> memref<128x128xf32, #tpu.memory_space<hbm>>
    %dma_wait3A_246 = arith.constant 0 : i32
    %dma_wait3A_247 = arith.constant 0 : i32
    %dma_wait3A_248 = tpu.memref_slice %arg6[%dma_wait3A_237, %dma_wait3A_246, %dma_wait3A_247] : memref<6x128x128xf32, #tpu.memory_space<vmem>> -> memref<1x128x128xf32, #tpu.memory_space<vmem>>
    %dma_wait3A_249 = tpu.memref_squeeze %dma_wait3A_248 : memref<1x128x128xf32, #tpu.memory_space<vmem>> -> memref<128x128xf32, #tpu.memory_space<vmem>>
    tpu.wait_dma2 semaphore(%arg15 : memref<!tpu.dma_semaphore, #tpu.memory_space<semaphore_mem>>) src(%dma_wait3A_249 : memref<128x128xf32, #tpu.memory_space<vmem>>) dst(%dma_wait3A_245 : memref<128x128xf32, #tpu.memory_space<hbm>>)
    %dma_start3A_250 = arith.constant 8 : i32
    %dma_start3A_251 = arith.constant 2 : i32
    %dma_start3A_252 = arith.constant 0 : i32
    %dma_start3A_253 = arith.constant 0 : i32
    %dma_start3A_254 = tpu.memref_slice %arg6[%dma_start3A_251, %dma_start3A_252, %dma_start3A_253] : memref<6x128x128xf32, #tpu.memory_space<vmem>> -> memref<1x128x128xf32, #tpu.memory_space<vmem>>
    %dma_start3A_255 = tpu.memref_squeeze %dma_start3A_254 : memref<1x128x128xf32, #tpu.memory_space<vmem>> -> memref<128x128xf32, #tpu.memory_space<vmem>>
    %dma_start3A_256 = arith.constant 0 : i32
    %dma_start3A_257 = tpu.memref_slice %arg5[%dma_start3A_250, %dma_start3A_256] : memref<50x128xi32, #tpu.memory_space<vmem>> -> memref<1x128xi32, #tpu.memory_space<vmem>>
    %dma_start3A_258 = tpu.memref_squeeze %dma_start3A_257 : memref<1x128xi32, #tpu.memory_space<vmem>> -> memref<128xi32, #tpu.memory_space<vmem>>
    %dma_start3A_259 = arith.constant 0 : i32
    %dma_start3A_260 = arith.constant 0 : i32
    %dma_start3A_261 = tpu.memref_slice %arg3[%dma_start3A_259, %dma_start3A_260] : memref<100000x128xf32, #tpu.memory_space<hbm>> -> memref<100000x128xf32, #tpu.memory_space<hbm>>
    tpu.enqueue_indirect_dma source(%dma_start3A_261 : memref<100000x128xf32, #tpu.memory_space<hbm>>) target(%dma_start3A_255 : memref<128x128xf32, #tpu.memory_space<vmem>>) offsets(%dma_start3A_258 : memref<128xi32, #tpu.memory_space<vmem>>) semaphore(%arg9 : memref<!tpu.dma_semaphore, #tpu.memory_space<semaphore_mem>>)
    %dma_wait3A_262 = arith.constant 4 : i32
    %dma_wait3A_263 = arith.constant 4 : i32
    %dma_wait3A_264 = arith.constant 0 : i32
    %dma_wait3A_265 = arith.constant 0 : i32
    %dma_wait3A_266 = tpu.memref_slice %arg6[%dma_wait3A_263, %dma_wait3A_264, %dma_wait3A_265] : memref<6x128x128xf32, #tpu.memory_space<vmem>> -> memref<1x128x128xf32, #tpu.memory_space<vmem>>
    %dma_wait3A_267 = tpu.memref_squeeze %dma_wait3A_266 : memref<1x128x128xf32, #tpu.memory_space<vmem>> -> memref<128x128xf32, #tpu.memory_space<vmem>>
    %dma_wait3A_268 = arith.constant 0 : i32
    %dma_wait3A_269 = tpu.memref_slice %arg5[%dma_wait3A_262, %dma_wait3A_268] : memref<50x128xi32, #tpu.memory_space<vmem>> -> memref<1x128xi32, #tpu.memory_space<vmem>>
    %dma_wait3A_270 = tpu.memref_squeeze %dma_wait3A_269 : memref<1x128xi32, #tpu.memory_space<vmem>> -> memref<128xi32, #tpu.memory_space<vmem>>
    %dma_wait3A_271 = arith.constant 0 : i32
    %dma_wait3A_272 = arith.constant 0 : i32
    %dma_wait3A_273 = tpu.memref_slice %arg3[%dma_wait3A_271, %dma_wait3A_272] : memref<100000x128xf32, #tpu.memory_space<hbm>> -> memref<100000x128xf32, #tpu.memory_space<hbm>>
    tpu.wait_indirect_dma semaphore(%arg11 : memref<!tpu.dma_semaphore, #tpu.memory_space<semaphore_mem>>) src(%dma_wait3A_273 : memref<100000x128xf32, #tpu.memory_space<hbm>>) dst(%dma_wait3A_267 : memref<128x128xf32, #tpu.memory_space<vmem>>)
    %add3A_274 = arith.constant 512 : i32
    %add3A_275 = arith.addi %mul3A_2, %add3A_274 : i32
    %dma_start3A_276 = arith.constant 4 : i32
    %dma_start3A_277 = arith.constant 0 : i32
    %dma_start3A_278 = arith.constant 0 : i32
    %dma_start3A_279 = tpu.memref_slice %arg6[%dma_start3A_276, %dma_start3A_277, %dma_start3A_278] : memref<6x128x128xf32, #tpu.memory_space<vmem>> -> memref<1x128x128xf32, #tpu.memory_space<vmem>>
    %dma_start3A_280 = tpu.memref_squeeze %dma_start3A_279 : memref<1x128x128xf32, #tpu.memory_space<vmem>> -> memref<128x128xf32, #tpu.memory_space<vmem>>
    %dma_start3A_281 = arith.constant 0 : i32
    %dma_start3A_282 = tpu.memref_slice %arg4[%add3A_275, %dma_start3A_281] : memref<204800x128xf32, #tpu.memory_space<hbm>> -> memref<128x128xf32, #tpu.memory_space<hbm>>
    %dma_start3A_283 = arith.constant 0 : i32
    %dma_start3A_284 = tpu.memref_slice %arg4[%add3A_275, %dma_start3A_283] : memref<204800x128xf32, #tpu.memory_space<hbm>> -> memref<128x128xf32, #tpu.memory_space<hbm>>
    %dma_start3A_285 = arith.constant 0 : i32
    %dma_start3A_286 = arith.constant 0 : i32
    %dma_start3A_287 = tpu.memref_slice %arg6[%dma_start3A_276, %dma_start3A_285, %dma_start3A_286] : memref<6x128x128xf32, #tpu.memory_space<vmem>> -> memref<1x128x128xf32, #tpu.memory_space<vmem>>
    %dma_start3A_288 = tpu.memref_squeeze %dma_start3A_287 : memref<1x128x128xf32, #tpu.memory_space<vmem>> -> memref<128x128xf32, #tpu.memory_space<vmem>>
    tpu.enqueue_dma source(%dma_start3A_288 : memref<128x128xf32, #tpu.memory_space<vmem>>) target(%dma_start3A_284 : memref<128x128xf32, #tpu.memory_space<hbm>>) target_semaphore(%arg17 : memref<!tpu.dma_semaphore, #tpu.memory_space<semaphore_mem>>)
    %add3A_289 = arith.constant 384 : i32
    %add3A_290 = arith.addi %mul3A_2, %add3A_289 : i32
    %dma_wait3A_291 = arith.constant 3 : i32
    %dma_wait3A_292 = arith.constant 0 : i32
    %dma_wait3A_293 = arith.constant 0 : i32
    %dma_wait3A_294 = tpu.memref_slice %arg6[%dma_wait3A_291, %dma_wait3A_292, %dma_wait3A_293] : memref<6x128x128xf32, #tpu.memory_space<vmem>> -> memref<1x128x128xf32, #tpu.memory_space<vmem>>
    %dma_wait3A_295 = tpu.memref_squeeze %dma_wait3A_294 : memref<1x128x128xf32, #tpu.memory_space<vmem>> -> memref<128x128xf32, #tpu.memory_space<vmem>>
    %dma_wait3A_296 = arith.constant 0 : i32
    %dma_wait3A_297 = tpu.memref_slice %arg4[%add3A_290, %dma_wait3A_296] : memref<204800x128xf32, #tpu.memory_space<hbm>> -> memref<128x128xf32, #tpu.memory_space<hbm>>
    %dma_wait3A_298 = arith.constant 0 : i32
    %dma_wait3A_299 = tpu.memref_slice %arg4[%add3A_290, %dma_wait3A_298] : memref<204800x128xf32, #tpu.memory_space<hbm>> -> memref<128x128xf32, #tpu.memory_space<hbm>>
    %dma_wait3A_300 = arith.constant 0 : i32
    %dma_wait3A_301 = arith.constant 0 : i32
    %dma_wait3A_302 = tpu.memref_slice %arg6[%dma_wait3A_291, %dma_wait3A_300, %dma_wait3A_301] : memref<6x128x128xf32, #tpu.memory_space<vmem>> -> memref<1x128x128xf32, #tpu.memory_space<vmem>>
    %dma_wait3A_303 = tpu.memref_squeeze %dma_wait3A_302 : memref<1x128x128xf32, #tpu.memory_space<vmem>> -> memref<128x128xf32, #tpu.memory_space<vmem>>
    tpu.wait_dma2 semaphore(%arg16 : memref<!tpu.dma_semaphore, #tpu.memory_space<semaphore_mem>>) src(%dma_wait3A_303 : memref<128x128xf32, #tpu.memory_space<vmem>>) dst(%dma_wait3A_299 : memref<128x128xf32, #tpu.memory_space<hbm>>)
    %dma_start3A_304 = arith.constant 9 : i32
    %dma_start3A_305 = arith.constant 3 : i32
    %dma_start3A_306 = arith.constant 0 : i32
    %dma_start3A_307 = arith.constant 0 : i32
    %dma_start3A_308 = tpu.memref_slice %arg6[%dma_start3A_305, %dma_start3A_306, %dma_start3A_307] : memref<6x128x128xf32, #tpu.memory_space<vmem>> -> memref<1x128x128xf32, #tpu.memory_space<vmem>>
    %dma_start3A_309 = tpu.memref_squeeze %dma_start3A_308 : memref<1x128x128xf32, #tpu.memory_space<vmem>> -> memref<128x128xf32, #tpu.memory_space<vmem>>
    %dma_start3A_310 = arith.constant 0 : i32
    %dma_start3A_311 = tpu.memref_slice %arg5[%dma_start3A_304, %dma_start3A_310] : memref<50x128xi32, #tpu.memory_space<vmem>> -> memref<1x128xi32, #tpu.memory_space<vmem>>
    %dma_start3A_312 = tpu.memref_squeeze %dma_start3A_311 : memref<1x128xi32, #tpu.memory_space<vmem>> -> memref<128xi32, #tpu.memory_space<vmem>>
    %dma_start3A_313 = arith.constant 0 : i32
    %dma_start3A_314 = arith.constant 0 : i32
    %dma_start3A_315 = tpu.memref_slice %arg3[%dma_start3A_313, %dma_start3A_314] : memref<100000x128xf32, #tpu.memory_space<hbm>> -> memref<100000x128xf32, #tpu.memory_space<hbm>>
    tpu.enqueue_indirect_dma source(%dma_start3A_315 : memref<100000x128xf32, #tpu.memory_space<hbm>>) target(%dma_start3A_309 : memref<128x128xf32, #tpu.memory_space<vmem>>) offsets(%dma_start3A_312 : memref<128xi32, #tpu.memory_space<vmem>>) semaphore(%arg10 : memref<!tpu.dma_semaphore, #tpu.memory_space<semaphore_mem>>)
    %dma_wait3A_316 = arith.constant 5 : i32
    %dma_wait3A_317 = arith.constant 5 : i32
    %dma_wait3A_318 = arith.constant 0 : i32
    %dma_wait3A_319 = arith.constant 0 : i32
    %dma_wait3A_320 = tpu.memref_slice %arg6[%dma_wait3A_317, %dma_wait3A_318, %dma_wait3A_319] : memref<6x128x128xf32, #tpu.memory_space<vmem>> -> memref<1x128x128xf32, #tpu.memory_space<vmem>>
    %dma_wait3A_321 = tpu.memref_squeeze %dma_wait3A_320 : memref<1x128x128xf32, #tpu.memory_space<vmem>> -> memref<128x128xf32, #tpu.memory_space<vmem>>
    %dma_wait3A_322 = arith.constant 0 : i32
    %dma_wait3A_323 = tpu.memref_slice %arg5[%dma_wait3A_316, %dma_wait3A_322] : memref<50x128xi32, #tpu.memory_space<vmem>> -> memref<1x128xi32, #tpu.memory_space<vmem>>
    %dma_wait3A_324 = tpu.memref_squeeze %dma_wait3A_323 : memref<1x128xi32, #tpu.memory_space<vmem>> -> memref<128xi32, #tpu.memory_space<vmem>>
    %dma_wait3A_325 = arith.constant 0 : i32
    %dma_wait3A_326 = arith.constant 0 : i32
    %dma_wait3A_327 = tpu.memref_slice %arg3[%dma_wait3A_325, %dma_wait3A_326] : memref<100000x128xf32, #tpu.memory_space<hbm>> -> memref<100000x128xf32, #tpu.memory_space<hbm>>
    tpu.wait_indirect_dma semaphore(%arg12 : memref<!tpu.dma_semaphore, #tpu.memory_space<semaphore_mem>>) src(%dma_wait3A_327 : memref<100000x128xf32, #tpu.memory_space<hbm>>) dst(%dma_wait3A_321 : memref<128x128xf32, #tpu.memory_space<vmem>>)
    %add3A_328 = arith.constant 640 : i32
    %add3A_329 = arith.addi %mul3A_2, %add3A_328 : i32
    %dma_start3A_330 = arith.constant 5 : i32
    %dma_start3A_331 = arith.constant 0 : i32
    %dma_start3A_332 = arith.constant 0 : i32
    %dma_start3A_333 = tpu.memref_slice %arg6[%dma_start3A_330, %dma_start3A_331, %dma_start3A_332] : memref<6x128x128xf32, #tpu.memory_space<vmem>> -> memref<1x128x128xf32, #tpu.memory_space<vmem>>
    %dma_start3A_334 = tpu.memref_squeeze %dma_start3A_333 : memref<1x128x128xf32, #tpu.memory_space<vmem>> -> memref<128x128xf32, #tpu.memory_space<vmem>>
    %dma_start3A_335 = arith.constant 0 : i32
    %dma_start3A_336 = tpu.memref_slice %arg4[%add3A_329, %dma_start3A_335] : memref<204800x128xf32, #tpu.memory_space<hbm>> -> memref<128x128xf32, #tpu.memory_space<hbm>>
    %dma_start3A_337 = arith.constant 0 : i32
    %dma_start3A_338 = tpu.memref_slice %arg4[%add3A_329, %dma_start3A_337] : memref<204800x128xf32, #tpu.memory_space<hbm>> -> memref<128x128xf32, #tpu.memory_space<hbm>>
    %dma_start3A_339 = arith.constant 0 : i32
    %dma_start3A_340 = arith.constant 0 : i32
    %dma_start3A_341 = tpu.memref_slice %arg6[%dma_start3A_330, %dma_start3A_339, %dma_start3A_340] : memref<6x128x128xf32, #tpu.memory_space<vmem>> -> memref<1x128x128xf32, #tpu.memory_space<vmem>>
    %dma_start3A_342 = tpu.memref_squeeze %dma_start3A_341 : memref<1x128x128xf32, #tpu.memory_space<vmem>> -> memref<128x128xf32, #tpu.memory_space<vmem>>
    tpu.enqueue_dma source(%dma_start3A_342 : memref<128x128xf32, #tpu.memory_space<vmem>>) target(%dma_start3A_338 : memref<128x128xf32, #tpu.memory_space<hbm>>) target_semaphore(%arg18 : memref<!tpu.dma_semaphore, #tpu.memory_space<semaphore_mem>>)
    %scan3A = arith.constant 0 : i32
    %scan3A_343 = arith.constant 1 : i32
    %scan3A_344 = arith.constant 6 : i32
    %scan3A_345 = arith.addi %scan3A_343, %scan3A_344 : i32
    %scan3A_346 = arith.constant 1 : i32
    scf.for %scan3A_762 = %scan3A_343 to %scan3A_345 step %scan3A_346  : i32 {
      %mul3A_763 = arith.constant 6 : i32
      %mul3A_764 = arith.muli %scan3A_762, %mul3A_763 : i32
      %add3A_765 = arith.constant 0 : i32
      %add3A_766 = arith.addi %mul3A_764, %add3A_765 : i32
      %add3A_767 = arith.constant 4 : i32
      %add3A_768 = arith.addi %add3A_766, %add3A_767 : i32
      %sub3A = arith.constant 6 : i32
      %sub3A_769 = arith.subi %add3A_768, %sub3A : i32
      %mul3A_770 = arith.constant 128 : i32
      %mul3A_771 = arith.muli %sub3A_769, %mul3A_770 : i32
      %add3A_772 = arith.addi %mul3A_2, %mul3A_771 : i32
      %dma_wait3A_773 = arith.constant 4 : i32
      %dma_wait3A_774 = arith.constant 0 : i32
      %dma_wait3A_775 = arith.constant 0 : i32
      %dma_wait3A_776 = tpu.memref_slice %arg6[%dma_wait3A_773, %dma_wait3A_774, %dma_wait3A_775] : memref<6x128x128xf32, #tpu.memory_space<vmem>> -> memref<1x128x128xf32, #tpu.memory_space<vmem>>
      %dma_wait3A_777 = tpu.memref_squeeze %dma_wait3A_776 : memref<1x128x128xf32, #tpu.memory_space<vmem>> -> memref<128x128xf32, #tpu.memory_space<vmem>>
      %dma_wait3A_778 = arith.constant 0 : i32
      %dma_wait3A_779 = tpu.memref_slice %arg4[%add3A_772, %dma_wait3A_778] : memref<204800x128xf32, #tpu.memory_space<hbm>> -> memref<128x128xf32, #tpu.memory_space<hbm>>
      %dma_wait3A_780 = arith.constant 0 : i32
      %dma_wait3A_781 = tpu.memref_slice %arg4[%add3A_772, %dma_wait3A_780] : memref<204800x128xf32, #tpu.memory_space<hbm>> -> memref<128x128xf32, #tpu.memory_space<hbm>>
      %dma_wait3A_782 = arith.constant 0 : i32
      %dma_wait3A_783 = arith.constant 0 : i32
      %dma_wait3A_784 = tpu.memref_slice %arg6[%dma_wait3A_773, %dma_wait3A_782, %dma_wait3A_783] : memref<6x128x128xf32, #tpu.memory_space<vmem>> -> memref<1x128x128xf32, #tpu.memory_space<vmem>>
      %dma_wait3A_785 = tpu.memref_squeeze %dma_wait3A_784 : memref<1x128x128xf32, #tpu.memory_space<vmem>> -> memref<128x128xf32, #tpu.memory_space<vmem>>
      tpu.wait_dma2 semaphore(%arg17 : memref<!tpu.dma_semaphore, #tpu.memory_space<semaphore_mem>>) src(%dma_wait3A_785 : memref<128x128xf32, #tpu.memory_space<vmem>>) dst(%dma_wait3A_781 : memref<128x128xf32, #tpu.memory_space<hbm>>)
      %dma_start3A_786 = arith.constant 4 : i32
      %dma_start3A_787 = arith.constant 0 : i32
      %dma_start3A_788 = arith.constant 0 : i32
      %dma_start3A_789 = tpu.memref_slice %arg6[%dma_start3A_786, %dma_start3A_787, %dma_start3A_788] : memref<6x128x128xf32, #tpu.memory_space<vmem>> -> memref<1x128x128xf32, #tpu.memory_space<vmem>>
      %dma_start3A_790 = tpu.memref_squeeze %dma_start3A_789 : memref<1x128x128xf32, #tpu.memory_space<vmem>> -> memref<128x128xf32, #tpu.memory_space<vmem>>
      %dma_start3A_791 = arith.constant 0 : i32
      %dma_start3A_792 = tpu.memref_slice %arg5[%add3A_768, %dma_start3A_791] : memref<50x128xi32, #tpu.memory_space<vmem>> -> memref<1x128xi32, #tpu.memory_space<vmem>>
      %dma_start3A_793 = tpu.memref_squeeze %dma_start3A_792 : memref<1x128xi32, #tpu.memory_space<vmem>> -> memref<128xi32, #tpu.memory_space<vmem>>
      %dma_start3A_794 = arith.constant 0 : i32
      %dma_start3A_795 = arith.constant 0 : i32
      %dma_start3A_796 = tpu.memref_slice %arg3[%dma_start3A_794, %dma_start3A_795] : memref<100000x128xf32, #tpu.memory_space<hbm>> -> memref<100000x128xf32, #tpu.memory_space<hbm>>
      tpu.enqueue_indirect_dma source(%dma_start3A_796 : memref<100000x128xf32, #tpu.memory_space<hbm>>) target(%dma_start3A_790 : memref<128x128xf32, #tpu.memory_space<vmem>>) offsets(%dma_start3A_793 : memref<128xi32, #tpu.memory_space<vmem>>) semaphore(%arg11 : memref<!tpu.dma_semaphore, #tpu.memory_space<semaphore_mem>>)
      %dma_wait3A_797 = arith.constant 0 : i32
      %dma_wait3A_798 = arith.constant 0 : i32
      %dma_wait3A_799 = arith.constant 0 : i32
      %dma_wait3A_800 = tpu.memref_slice %arg6[%dma_wait3A_797, %dma_wait3A_798, %dma_wait3A_799] : memref<6x128x128xf32, #tpu.memory_space<vmem>> -> memref<1x128x128xf32, #tpu.memory_space<vmem>>
      %dma_wait3A_801 = tpu.memref_squeeze %dma_wait3A_800 : memref<1x128x128xf32, #tpu.memory_space<vmem>> -> memref<128x128xf32, #tpu.memory_space<vmem>>
      %dma_wait3A_802 = arith.constant 0 : i32
      %dma_wait3A_803 = tpu.memref_slice %arg5[%add3A_766, %dma_wait3A_802] : memref<50x128xi32, #tpu.memory_space<vmem>> -> memref<1x128xi32, #tpu.memory_space<vmem>>
      %dma_wait3A_804 = tpu.memref_squeeze %dma_wait3A_803 : memref<1x128xi32, #tpu.memory_space<vmem>> -> memref<128xi32, #tpu.memory_space<vmem>>
      %dma_wait3A_805 = arith.constant 0 : i32
      %dma_wait3A_806 = arith.constant 0 : i32
      %dma_wait3A_807 = tpu.memref_slice %arg3[%dma_wait3A_805, %dma_wait3A_806] : memref<100000x128xf32, #tpu.memory_space<hbm>> -> memref<100000x128xf32, #tpu.memory_space<hbm>>
      tpu.wait_indirect_dma semaphore(%arg7 : memref<!tpu.dma_semaphore, #tpu.memory_space<semaphore_mem>>) src(%dma_wait3A_807 : memref<100000x128xf32, #tpu.memory_space<hbm>>) dst(%dma_wait3A_801 : memref<128x128xf32, #tpu.memory_space<vmem>>)
      %mul3A_808 = arith.constant 128 : i32
      %mul3A_809 = arith.muli %add3A_766, %mul3A_808 : i32
      %add3A_810 = arith.addi %mul3A_2, %mul3A_809 : i32
      %dma_start3A_811 = arith.constant 0 : i32
      %dma_start3A_812 = arith.constant 0 : i32
      %dma_start3A_813 = arith.constant 0 : i32
      %dma_start3A_814 = tpu.memref_slice %arg6[%dma_start3A_811, %dma_start3A_812, %dma_start3A_813] : memref<6x128x128xf32, #tpu.memory_space<vmem>> -> memref<1x128x128xf32, #tpu.memory_space<vmem>>
      %dma_start3A_815 = tpu.memref_squeeze %dma_start3A_814 : memref<1x128x128xf32, #tpu.memory_space<vmem>> -> memref<128x128xf32, #tpu.memory_space<vmem>>
      %dma_start3A_816 = arith.constant 0 : i32
      %dma_start3A_817 = tpu.memref_slice %arg4[%add3A_810, %dma_start3A_816] : memref<204800x128xf32, #tpu.memory_space<hbm>> -> memref<128x128xf32, #tpu.memory_space<hbm>>
      %dma_start3A_818 = arith.constant 0 : i32
      %dma_start3A_819 = tpu.memref_slice %arg4[%add3A_810, %dma_start3A_818] : memref<204800x128xf32, #tpu.memory_space<hbm>> -> memref<128x128xf32, #tpu.memory_space<hbm>>
      %dma_start3A_820 = arith.constant 0 : i32
      %dma_start3A_821 = arith.constant 0 : i32
      %dma_start3A_822 = tpu.memref_slice %arg6[%dma_start3A_811, %dma_start3A_820, %dma_start3A_821] : memref<6x128x128xf32, #tpu.memory_space<vmem>> -> memref<1x128x128xf32, #tpu.memory_space<vmem>>
      %dma_start3A_823 = tpu.memref_squeeze %dma_start3A_822 : memref<1x128x128xf32, #tpu.memory_space<vmem>> -> memref<128x128xf32, #tpu.memory_space<vmem>>
      tpu.enqueue_dma source(%dma_start3A_823 : memref<128x128xf32, #tpu.memory_space<vmem>>) target(%dma_start3A_819 : memref<128x128xf32, #tpu.memory_space<hbm>>) target_semaphore(%arg13 : memref<!tpu.dma_semaphore, #tpu.memory_space<semaphore_mem>>)
      %mul3A_824 = arith.constant 6 : i32
      %mul3A_825 = arith.muli %scan3A_762, %mul3A_824 : i32
      %add3A_826 = arith.constant 1 : i32
      %add3A_827 = arith.addi %mul3A_825, %add3A_826 : i32
      %add3A_828 = arith.constant 4 : i32
      %add3A_829 = arith.addi %add3A_827, %add3A_828 : i32
      %sub3A_830 = arith.constant 6 : i32
      %sub3A_831 = arith.subi %add3A_829, %sub3A_830 : i32
      %mul3A_832 = arith.constant 128 : i32
      %mul3A_833 = arith.muli %sub3A_831, %mul3A_832 : i32
      %add3A_834 = arith.addi %mul3A_2, %mul3A_833 : i32
      %dma_wait3A_835 = arith.constant 5 : i32
      %dma_wait3A_836 = arith.constant 0 : i32
      %dma_wait3A_837 = arith.constant 0 : i32
      %dma_wait3A_838 = tpu.memref_slice %arg6[%dma_wait3A_835, %dma_wait3A_836, %dma_wait3A_837] : memref<6x128x128xf32, #tpu.memory_space<vmem>> -> memref<1x128x128xf32, #tpu.memory_space<vmem>>
      %dma_wait3A_839 = tpu.memref_squeeze %dma_wait3A_838 : memref<1x128x128xf32, #tpu.memory_space<vmem>> -> memref<128x128xf32, #tpu.memory_space<vmem>>
      %dma_wait3A_840 = arith.constant 0 : i32
      %dma_wait3A_841 = tpu.memref_slice %arg4[%add3A_834, %dma_wait3A_840] : memref<204800x128xf32, #tpu.memory_space<hbm>> -> memref<128x128xf32, #tpu.memory_space<hbm>>
      %dma_wait3A_842 = arith.constant 0 : i32
      %dma_wait3A_843 = tpu.memref_slice %arg4[%add3A_834, %dma_wait3A_842] : memref<204800x128xf32, #tpu.memory_space<hbm>> -> memref<128x128xf32, #tpu.memory_space<hbm>>
      %dma_wait3A_844 = arith.constant 0 : i32
      %dma_wait3A_845 = arith.constant 0 : i32
      %dma_wait3A_846 = tpu.memref_slice %arg6[%dma_wait3A_835, %dma_wait3A_844, %dma_wait3A_845] : memref<6x128x128xf32, #tpu.memory_space<vmem>> -> memref<1x128x128xf32, #tpu.memory_space<vmem>>
      %dma_wait3A_847 = tpu.memref_squeeze %dma_wait3A_846 : memref<1x128x128xf32, #tpu.memory_space<vmem>> -> memref<128x128xf32, #tpu.memory_space<vmem>>
      tpu.wait_dma2 semaphore(%arg18 : memref<!tpu.dma_semaphore, #tpu.memory_space<semaphore_mem>>) src(%dma_wait3A_847 : memref<128x128xf32, #tpu.memory_space<vmem>>) dst(%dma_wait3A_843 : memref<128x128xf32, #tpu.memory_space<hbm>>)
      %dma_start3A_848 = arith.constant 5 : i32
      %dma_start3A_849 = arith.constant 0 : i32
      %dma_start3A_850 = arith.constant 0 : i32
      %dma_start3A_851 = tpu.memref_slice %arg6[%dma_start3A_848, %dma_start3A_849, %dma_start3A_850] : memref<6x128x128xf32, #tpu.memory_space<vmem>> -> memref<1x128x128xf32, #tpu.memory_space<vmem>>
      %dma_start3A_852 = tpu.memref_squeeze %dma_start3A_851 : memref<1x128x128xf32, #tpu.memory_space<vmem>> -> memref<128x128xf32, #tpu.memory_space<vmem>>
      %dma_start3A_853 = arith.constant 0 : i32
      %dma_start3A_854 = tpu.memref_slice %arg5[%add3A_829, %dma_start3A_853] : memref<50x128xi32, #tpu.memory_space<vmem>> -> memref<1x128xi32, #tpu.memory_space<vmem>>
      %dma_start3A_855 = tpu.memref_squeeze %dma_start3A_854 : memref<1x128xi32, #tpu.memory_space<vmem>> -> memref<128xi32, #tpu.memory_space<vmem>>
      %dma_start3A_856 = arith.constant 0 : i32
      %dma_start3A_857 = arith.constant 0 : i32
      %dma_start3A_858 = tpu.memref_slice %arg3[%dma_start3A_856, %dma_start3A_857] : memref<100000x128xf32, #tpu.memory_space<hbm>> -> memref<100000x128xf32, #tpu.memory_space<hbm>>
      tpu.enqueue_indirect_dma source(%dma_start3A_858 : memref<100000x128xf32, #tpu.memory_space<hbm>>) target(%dma_start3A_852 : memref<128x128xf32, #tpu.memory_space<vmem>>) offsets(%dma_start3A_855 : memref<128xi32, #tpu.memory_space<vmem>>) semaphore(%arg12 : memref<!tpu.dma_semaphore, #tpu.memory_space<semaphore_mem>>)
      %dma_wait3A_859 = arith.constant 1 : i32
      %dma_wait3A_860 = arith.constant 0 : i32
      %dma_wait3A_861 = arith.constant 0 : i32
      %dma_wait3A_862 = tpu.memref_slice %arg6[%dma_wait3A_859, %dma_wait3A_860, %dma_wait3A_861] : memref<6x128x128xf32, #tpu.memory_space<vmem>> -> memref<1x128x128xf32, #tpu.memory_space<vmem>>
      %dma_wait3A_863 = tpu.memref_squeeze %dma_wait3A_862 : memref<1x128x128xf32, #tpu.memory_space<vmem>> -> memref<128x128xf32, #tpu.memory_space<vmem>>
      %dma_wait3A_864 = arith.constant 0 : i32
      %dma_wait3A_865 = tpu.memref_slice %arg5[%add3A_827, %dma_wait3A_864] : memref<50x128xi32, #tpu.memory_space<vmem>> -> memref<1x128xi32, #tpu.memory_space<vmem>>
      %dma_wait3A_866 = tpu.memref_squeeze %dma_wait3A_865 : memref<1x128xi32, #tpu.memory_space<vmem>> -> memref<128xi32, #tpu.memory_space<vmem>>
      %dma_wait3A_867 = arith.constant 0 : i32
      %dma_wait3A_868 = arith.constant 0 : i32
      %dma_wait3A_869 = tpu.memref_slice %arg3[%dma_wait3A_867, %dma_wait3A_868] : memref<100000x128xf32, #tpu.memory_space<hbm>> -> memref<100000x128xf32, #tpu.memory_space<hbm>>
      tpu.wait_indirect_dma semaphore(%arg8 : memref<!tpu.dma_semaphore, #tpu.memory_space<semaphore_mem>>) src(%dma_wait3A_869 : memref<100000x128xf32, #tpu.memory_space<hbm>>) dst(%dma_wait3A_863 : memref<128x128xf32, #tpu.memory_space<vmem>>)
      %mul3A_870 = arith.constant 128 : i32
      %mul3A_871 = arith.muli %add3A_827, %mul3A_870 : i32
      %add3A_872 = arith.addi %mul3A_2, %mul3A_871 : i32
      %dma_start3A_873 = arith.constant 1 : i32
      %dma_start3A_874 = arith.constant 0 : i32
      %dma_start3A_875 = arith.constant 0 : i32
      %dma_start3A_876 = tpu.memref_slice %arg6[%dma_start3A_873, %dma_start3A_874, %dma_start3A_875] : memref<6x128x128xf32, #tpu.memory_space<vmem>> -> memref<1x128x128xf32, #tpu.memory_space<vmem>>
      %dma_start3A_877 = tpu.memref_squeeze %dma_start3A_876 : memref<1x128x128xf32, #tpu.memory_space<vmem>> -> memref<128x128xf32, #tpu.memory_space<vmem>>
      %dma_start3A_878 = arith.constant 0 : i32
      %dma_start3A_879 = tpu.memref_slice %arg4[%add3A_872, %dma_start3A_878] : memref<204800x128xf32, #tpu.memory_space<hbm>> -> memref<128x128xf32, #tpu.memory_space<hbm>>
      %dma_start3A_880 = arith.constant 0 : i32
      %dma_start3A_881 = tpu.memref_slice %arg4[%add3A_872, %dma_start3A_880] : memref<204800x128xf32, #tpu.memory_space<hbm>> -> memref<128x128xf32, #tpu.memory_space<hbm>>
      %dma_start3A_882 = arith.constant 0 : i32
      %dma_start3A_883 = arith.constant 0 : i32
      %dma_start3A_884 = tpu.memref_slice %arg6[%dma_start3A_873, %dma_start3A_882, %dma_start3A_883] : memref<6x128x128xf32, #tpu.memory_space<vmem>> -> memref<1x128x128xf32, #tpu.memory_space<vmem>>
      %dma_start3A_885 = tpu.memref_squeeze %dma_start3A_884 : memref<1x128x128xf32, #tpu.memory_space<vmem>> -> memref<128x128xf32, #tpu.memory_space<vmem>>
      tpu.enqueue_dma source(%dma_start3A_885 : memref<128x128xf32, #tpu.memory_space<vmem>>) target(%dma_start3A_881 : memref<128x128xf32, #tpu.memory_space<hbm>>) target_semaphore(%arg14 : memref<!tpu.dma_semaphore, #tpu.memory_space<semaphore_mem>>)
      %mul3A_886 = arith.constant 6 : i32
      %mul3A_887 = arith.muli %scan3A_762, %mul3A_886 : i32
      %add3A_888 = arith.constant 2 : i32
      %add3A_889 = arith.addi %mul3A_887, %add3A_888 : i32
      %add3A_890 = arith.constant 4 : i32
      %add3A_891 = arith.addi %add3A_889, %add3A_890 : i32
      %sub3A_892 = arith.constant 6 : i32
      %sub3A_893 = arith.subi %add3A_891, %sub3A_892 : i32
      %mul3A_894 = arith.constant 128 : i32
      %mul3A_895 = arith.muli %sub3A_893, %mul3A_894 : i32
      %add3A_896 = arith.addi %mul3A_2, %mul3A_895 : i32
      %dma_wait3A_897 = arith.constant 0 : i32
      %dma_wait3A_898 = arith.constant 0 : i32
      %dma_wait3A_899 = arith.constant 0 : i32
      %dma_wait3A_900 = tpu.memref_slice %arg6[%dma_wait3A_897, %dma_wait3A_898, %dma_wait3A_899] : memref<6x128x128xf32, #tpu.memory_space<vmem>> -> memref<1x128x128xf32, #tpu.memory_space<vmem>>
      %dma_wait3A_901 = tpu.memref_squeeze %dma_wait3A_900 : memref<1x128x128xf32, #tpu.memory_space<vmem>> -> memref<128x128xf32, #tpu.memory_space<vmem>>
      %dma_wait3A_902 = arith.constant 0 : i32
      %dma_wait3A_903 = tpu.memref_slice %arg4[%add3A_896, %dma_wait3A_902] : memref<204800x128xf32, #tpu.memory_space<hbm>> -> memref<128x128xf32, #tpu.memory_space<hbm>>
      %dma_wait3A_904 = arith.constant 0 : i32
      %dma_wait3A_905 = tpu.memref_slice %arg4[%add3A_896, %dma_wait3A_904] : memref<204800x128xf32, #tpu.memory_space<hbm>> -> memref<128x128xf32, #tpu.memory_space<hbm>>
      %dma_wait3A_906 = arith.constant 0 : i32
      %dma_wait3A_907 = arith.constant 0 : i32
      %dma_wait3A_908 = tpu.memref_slice %arg6[%dma_wait3A_897, %dma_wait3A_906, %dma_wait3A_907] : memref<6x128x128xf32, #tpu.memory_space<vmem>> -> memref<1x128x128xf32, #tpu.memory_space<vmem>>
      %dma_wait3A_909 = tpu.memref_squeeze %dma_wait3A_908 : memref<1x128x128xf32, #tpu.memory_space<vmem>> -> memref<128x128xf32, #tpu.memory_space<vmem>>
      tpu.wait_dma2 semaphore(%arg13 : memref<!tpu.dma_semaphore, #tpu.memory_space<semaphore_mem>>) src(%dma_wait3A_909 : memref<128x128xf32, #tpu.memory_space<vmem>>) dst(%dma_wait3A_905 : memref<128x128xf32, #tpu.memory_space<hbm>>)
      %dma_start3A_910 = arith.constant 0 : i32
      %dma_start3A_911 = arith.constant 0 : i32
      %dma_start3A_912 = arith.constant 0 : i32
      %dma_start3A_913 = tpu.memref_slice %arg6[%dma_start3A_910, %dma_start3A_911, %dma_start3A_912] : memref<6x128x128xf32, #tpu.memory_space<vmem>> -> memref<1x128x128xf32, #tpu.memory_space<vmem>>
      %dma_start3A_914 = tpu.memref_squeeze %dma_start3A_913 : memref<1x128x128xf32, #tpu.memory_space<vmem>> -> memref<128x128xf32, #tpu.memory_space<vmem>>
      %dma_start3A_915 = arith.constant 0 : i32
      %dma_start3A_916 = tpu.memref_slice %arg5[%add3A_891, %dma_start3A_915] : memref<50x128xi32, #tpu.memory_space<vmem>> -> memref<1x128xi32, #tpu.memory_space<vmem>>
      %dma_start3A_917 = tpu.memref_squeeze %dma_start3A_916 : memref<1x128xi32, #tpu.memory_space<vmem>> -> memref<128xi32, #tpu.memory_space<vmem>>
      %dma_start3A_918 = arith.constant 0 : i32
      %dma_start3A_919 = arith.constant 0 : i32
      %dma_start3A_920 = tpu.memref_slice %arg3[%dma_start3A_918, %dma_start3A_919] : memref<100000x128xf32, #tpu.memory_space<hbm>> -> memref<100000x128xf32, #tpu.memory_space<hbm>>
      tpu.enqueue_indirect_dma source(%dma_start3A_920 : memref<100000x128xf32, #tpu.memory_space<hbm>>) target(%dma_start3A_914 : memref<128x128xf32, #tpu.memory_space<vmem>>) offsets(%dma_start3A_917 : memref<128xi32, #tpu.memory_space<vmem>>) semaphore(%arg7 : memref<!tpu.dma_semaphore, #tpu.memory_space<semaphore_mem>>)
      %dma_wait3A_921 = arith.constant 2 : i32
      %dma_wait3A_922 = arith.constant 0 : i32
      %dma_wait3A_923 = arith.constant 0 : i32
      %dma_wait3A_924 = tpu.memref_slice %arg6[%dma_wait3A_921, %dma_wait3A_922, %dma_wait3A_923] : memref<6x128x128xf32, #tpu.memory_space<vmem>> -> memref<1x128x128xf32, #tpu.memory_space<vmem>>
      %dma_wait3A_925 = tpu.memref_squeeze %dma_wait3A_924 : memref<1x128x128xf32, #tpu.memory_space<vmem>> -> memref<128x128xf32, #tpu.memory_space<vmem>>
      %dma_wait3A_926 = arith.constant 0 : i32
      %dma_wait3A_927 = tpu.memref_slice %arg5[%add3A_889, %dma_wait3A_926] : memref<50x128xi32, #tpu.memory_space<vmem>> -> memref<1x128xi32, #tpu.memory_space<vmem>>
      %dma_wait3A_928 = tpu.memref_squeeze %dma_wait3A_927 : memref<1x128xi32, #tpu.memory_space<vmem>> -> memref<128xi32, #tpu.memory_space<vmem>>
      %dma_wait3A_929 = arith.constant 0 : i32
      %dma_wait3A_930 = arith.constant 0 : i32
      %dma_wait3A_931 = tpu.memref_slice %arg3[%dma_wait3A_929, %dma_wait3A_930] : memref<100000x128xf32, #tpu.memory_space<hbm>> -> memref<100000x128xf32, #tpu.memory_space<hbm>>
      tpu.wait_indirect_dma semaphore(%arg9 : memref<!tpu.dma_semaphore, #tpu.memory_space<semaphore_mem>>) src(%dma_wait3A_931 : memref<100000x128xf32, #tpu.memory_space<hbm>>) dst(%dma_wait3A_925 : memref<128x128xf32, #tpu.memory_space<vmem>>)
      %mul3A_932 = arith.constant 128 : i32
      %mul3A_933 = arith.muli %add3A_889, %mul3A_932 : i32
      %add3A_934 = arith.addi %mul3A_2, %mul3A_933 : i32
      %dma_start3A_935 = arith.constant 2 : i32
      %dma_start3A_936 = arith.constant 0 : i32
      %dma_start3A_937 = arith.constant 0 : i32
      %dma_start3A_938 = tpu.memref_slice %arg6[%dma_start3A_935, %dma_start3A_936, %dma_start3A_937] : memref<6x128x128xf32, #tpu.memory_space<vmem>> -> memref<1x128x128xf32, #tpu.memory_space<vmem>>
      %dma_start3A_939 = tpu.memref_squeeze %dma_start3A_938 : memref<1x128x128xf32, #tpu.memory_space<vmem>> -> memref<128x128xf32, #tpu.memory_space<vmem>>
      %dma_start3A_940 = arith.constant 0 : i32
      %dma_start3A_941 = tpu.memref_slice %arg4[%add3A_934, %dma_start3A_940] : memref<204800x128xf32, #tpu.memory_space<hbm>> -> memref<128x128xf32, #tpu.memory_space<hbm>>
      %dma_start3A_942 = arith.constant 0 : i32
      %dma_start3A_943 = tpu.memref_slice %arg4[%add3A_934, %dma_start3A_942] : memref<204800x128xf32, #tpu.memory_space<hbm>> -> memref<128x128xf32, #tpu.memory_space<hbm>>
      %dma_start3A_944 = arith.constant 0 : i32
      %dma_start3A_945 = arith.constant 0 : i32
      %dma_start3A_946 = tpu.memref_slice %arg6[%dma_start3A_935, %dma_start3A_944, %dma_start3A_945] : memref<6x128x128xf32, #tpu.memory_space<vmem>> -> memref<1x128x128xf32, #tpu.memory_space<vmem>>
      %dma_start3A_947 = tpu.memref_squeeze %dma_start3A_946 : memref<1x128x128xf32, #tpu.memory_space<vmem>> -> memref<128x128xf32, #tpu.memory_space<vmem>>
      tpu.enqueue_dma source(%dma_start3A_947 : memref<128x128xf32, #tpu.memory_space<vmem>>) target(%dma_start3A_943 : memref<128x128xf32, #tpu.memory_space<hbm>>) target_semaphore(%arg15 : memref<!tpu.dma_semaphore, #tpu.memory_space<semaphore_mem>>)
      %mul3A_948 = arith.constant 6 : i32
      %mul3A_949 = arith.muli %scan3A_762, %mul3A_948 : i32
      %add3A_950 = arith.constant 3 : i32
      %add3A_951 = arith.addi %mul3A_949, %add3A_950 : i32
      %add3A_952 = arith.constant 4 : i32
      %add3A_953 = arith.addi %add3A_951, %add3A_952 : i32
      %sub3A_954 = arith.constant 6 : i32
      %sub3A_955 = arith.subi %add3A_953, %sub3A_954 : i32
      %mul3A_956 = arith.constant 128 : i32
      %mul3A_957 = arith.muli %sub3A_955, %mul3A_956 : i32
      %add3A_958 = arith.addi %mul3A_2, %mul3A_957 : i32
      %dma_wait3A_959 = arith.constant 1 : i32
      %dma_wait3A_960 = arith.constant 0 : i32
      %dma_wait3A_961 = arith.constant 0 : i32
      %dma_wait3A_962 = tpu.memref_slice %arg6[%dma_wait3A_959, %dma_wait3A_960, %dma_wait3A_961] : memref<6x128x128xf32, #tpu.memory_space<vmem>> -> memref<1x128x128xf32, #tpu.memory_space<vmem>>
      %dma_wait3A_963 = tpu.memref_squeeze %dma_wait3A_962 : memref<1x128x128xf32, #tpu.memory_space<vmem>> -> memref<128x128xf32, #tpu.memory_space<vmem>>
      %dma_wait3A_964 = arith.constant 0 : i32
      %dma_wait3A_965 = tpu.memref_slice %arg4[%add3A_958, %dma_wait3A_964] : memref<204800x128xf32, #tpu.memory_space<hbm>> -> memref<128x128xf32, #tpu.memory_space<hbm>>
      %dma_wait3A_966 = arith.constant 0 : i32
      %dma_wait3A_967 = tpu.memref_slice %arg4[%add3A_958, %dma_wait3A_966] : memref<204800x128xf32, #tpu.memory_space<hbm>> -> memref<128x128xf32, #tpu.memory_space<hbm>>
      %dma_wait3A_968 = arith.constant 0 : i32
      %dma_wait3A_969 = arith.constant 0 : i32
      %dma_wait3A_970 = tpu.memref_slice %arg6[%dma_wait3A_959, %dma_wait3A_968, %dma_wait3A_969] : memref<6x128x128xf32, #tpu.memory_space<vmem>> -> memref<1x128x128xf32, #tpu.memory_space<vmem>>
      %dma_wait3A_971 = tpu.memref_squeeze %dma_wait3A_970 : memref<1x128x128xf32, #tpu.memory_space<vmem>> -> memref<128x128xf32, #tpu.memory_space<vmem>>
      tpu.wait_dma2 semaphore(%arg14 : memref<!tpu.dma_semaphore, #tpu.memory_space<semaphore_mem>>) src(%dma_wait3A_971 : memref<128x128xf32, #tpu.memory_space<vmem>>) dst(%dma_wait3A_967 : memref<128x128xf32, #tpu.memory_space<hbm>>)
      %dma_start3A_972 = arith.constant 1 : i32
      %dma_start3A_973 = arith.constant 0 : i32
      %dma_start3A_974 = arith.constant 0 : i32
      %dma_start3A_975 = tpu.memref_slice %arg6[%dma_start3A_972, %dma_start3A_973, %dma_start3A_974] : memref<6x128x128xf32, #tpu.memory_space<vmem>> -> memref<1x128x128xf32, #tpu.memory_space<vmem>>
      %dma_start3A_976 = tpu.memref_squeeze %dma_start3A_975 : memref<1x128x128xf32, #tpu.memory_space<vmem>> -> memref<128x128xf32, #tpu.memory_space<vmem>>
      %dma_start3A_977 = arith.constant 0 : i32
      %dma_start3A_978 = tpu.memref_slice %arg5[%add3A_953, %dma_start3A_977] : memref<50x128xi32, #tpu.memory_space<vmem>> -> memref<1x128xi32, #tpu.memory_space<vmem>>
      %dma_start3A_979 = tpu.memref_squeeze %dma_start3A_978 : memref<1x128xi32, #tpu.memory_space<vmem>> -> memref<128xi32, #tpu.memory_space<vmem>>
      %dma_start3A_980 = arith.constant 0 : i32
      %dma_start3A_981 = arith.constant 0 : i32
      %dma_start3A_982 = tpu.memref_slice %arg3[%dma_start3A_980, %dma_start3A_981] : memref<100000x128xf32, #tpu.memory_space<hbm>> -> memref<100000x128xf32, #tpu.memory_space<hbm>>
      tpu.enqueue_indirect_dma source(%dma_start3A_982 : memref<100000x128xf32, #tpu.memory_space<hbm>>) target(%dma_start3A_976 : memref<128x128xf32, #tpu.memory_space<vmem>>) offsets(%dma_start3A_979 : memref<128xi32, #tpu.memory_space<vmem>>) semaphore(%arg8 : memref<!tpu.dma_semaphore, #tpu.memory_space<semaphore_mem>>)
      %dma_wait3A_983 = arith.constant 3 : i32
      %dma_wait3A_984 = arith.constant 0 : i32
      %dma_wait3A_985 = arith.constant 0 : i32
      %dma_wait3A_986 = tpu.memref_slice %arg6[%dma_wait3A_983, %dma_wait3A_984, %dma_wait3A_985] : memref<6x128x128xf32, #tpu.memory_space<vmem>> -> memref<1x128x128xf32, #tpu.memory_space<vmem>>
      %dma_wait3A_987 = tpu.memref_squeeze %dma_wait3A_986 : memref<1x128x128xf32, #tpu.memory_space<vmem>> -> memref<128x128xf32, #tpu.memory_space<vmem>>
      %dma_wait3A_988 = arith.constant 0 : i32
      %dma_wait3A_989 = tpu.memref_slice %arg5[%add3A_951, %dma_wait3A_988] : memref<50x128xi32, #tpu.memory_space<vmem>> -> memref<1x128xi32, #tpu.memory_space<vmem>>
      %dma_wait3A_990 = tpu.memref_squeeze %dma_wait3A_989 : memref<1x128xi32, #tpu.memory_space<vmem>> -> memref<128xi32, #tpu.memory_space<vmem>>
      %dma_wait3A_991 = arith.constant 0 : i32
      %dma_wait3A_992 = arith.constant 0 : i32
      %dma_wait3A_993 = tpu.memref_slice %arg3[%dma_wait3A_991, %dma_wait3A_992] : memref<100000x128xf32, #tpu.memory_space<hbm>> -> memref<100000x128xf32, #tpu.memory_space<hbm>>
      tpu.wait_indirect_dma semaphore(%arg10 : memref<!tpu.dma_semaphore, #tpu.memory_space<semaphore_mem>>) src(%dma_wait3A_993 : memref<100000x128xf32, #tpu.memory_space<hbm>>) dst(%dma_wait3A_987 : memref<128x128xf32, #tpu.memory_space<vmem>>)
      %mul3A_994 = arith.constant 128 : i32
      %mul3A_995 = arith.muli %add3A_951, %mul3A_994 : i32
      %add3A_996 = arith.addi %mul3A_2, %mul3A_995 : i32
      %dma_start3A_997 = arith.constant 3 : i32
      %dma_start3A_998 = arith.constant 0 : i32
      %dma_start3A_999 = arith.constant 0 : i32
      %dma_start3A_1000 = tpu.memref_slice %arg6[%dma_start3A_997, %dma_start3A_998, %dma_start3A_999] : memref<6x128x128xf32, #tpu.memory_space<vmem>> -> memref<1x128x128xf32, #tpu.memory_space<vmem>>
      %dma_start3A_1001 = tpu.memref_squeeze %dma_start3A_1000 : memref<1x128x128xf32, #tpu.memory_space<vmem>> -> memref<128x128xf32, #tpu.memory_space<vmem>>
      %dma_start3A_1002 = arith.constant 0 : i32
      %dma_start3A_1003 = tpu.memref_slice %arg4[%add3A_996, %dma_start3A_1002] : memref<204800x128xf32, #tpu.memory_space<hbm>> -> memref<128x128xf32, #tpu.memory_space<hbm>>
      %dma_start3A_1004 = arith.constant 0 : i32
      %dma_start3A_1005 = tpu.memref_slice %arg4[%add3A_996, %dma_start3A_1004] : memref<204800x128xf32, #tpu.memory_space<hbm>> -> memref<128x128xf32, #tpu.memory_space<hbm>>
      %dma_start3A_1006 = arith.constant 0 : i32
      %dma_start3A_1007 = arith.constant 0 : i32
      %dma_start3A_1008 = tpu.memref_slice %arg6[%dma_start3A_997, %dma_start3A_1006, %dma_start3A_1007] : memref<6x128x128xf32, #tpu.memory_space<vmem>> -> memref<1x128x128xf32, #tpu.memory_space<vmem>>
      %dma_start3A_1009 = tpu.memref_squeeze %dma_start3A_1008 : memref<1x128x128xf32, #tpu.memory_space<vmem>> -> memref<128x128xf32, #tpu.memory_space<vmem>>
      tpu.enqueue_dma source(%dma_start3A_1009 : memref<128x128xf32, #tpu.memory_space<vmem>>) target(%dma_start3A_1005 : memref<128x128xf32, #tpu.memory_space<hbm>>) target_semaphore(%arg16 : memref<!tpu.dma_semaphore, #tpu.memory_space<semaphore_mem>>)
      %mul3A_1010 = arith.constant 6 : i32
      %mul3A_1011 = arith.muli %scan3A_762, %mul3A_1010 : i32
      %add3A_1012 = arith.constant 4 : i32
      %add3A_1013 = arith.addi %mul3A_1011, %add3A_1012 : i32
      %add3A_1014 = arith.constant 4 : i32
      %add3A_1015 = arith.addi %add3A_1013, %add3A_1014 : i32
      %sub3A_1016 = arith.constant 6 : i32
      %sub3A_1017 = arith.subi %add3A_1015, %sub3A_1016 : i32
      %mul3A_1018 = arith.constant 128 : i32
      %mul3A_1019 = arith.muli %sub3A_1017, %mul3A_1018 : i32
      %add3A_1020 = arith.addi %mul3A_2, %mul3A_1019 : i32
      %dma_wait3A_1021 = arith.constant 2 : i32
      %dma_wait3A_1022 = arith.constant 0 : i32
      %dma_wait3A_1023 = arith.constant 0 : i32
      %dma_wait3A_1024 = tpu.memref_slice %arg6[%dma_wait3A_1021, %dma_wait3A_1022, %dma_wait3A_1023] : memref<6x128x128xf32, #tpu.memory_space<vmem>> -> memref<1x128x128xf32, #tpu.memory_space<vmem>>
      %dma_wait3A_1025 = tpu.memref_squeeze %dma_wait3A_1024 : memref<1x128x128xf32, #tpu.memory_space<vmem>> -> memref<128x128xf32, #tpu.memory_space<vmem>>
      %dma_wait3A_1026 = arith.constant 0 : i32
      %dma_wait3A_1027 = tpu.memref_slice %arg4[%add3A_1020, %dma_wait3A_1026] : memref<204800x128xf32, #tpu.memory_space<hbm>> -> memref<128x128xf32, #tpu.memory_space<hbm>>
      %dma_wait3A_1028 = arith.constant 0 : i32
      %dma_wait3A_1029 = tpu.memref_slice %arg4[%add3A_1020, %dma_wait3A_1028] : memref<204800x128xf32, #tpu.memory_space<hbm>> -> memref<128x128xf32, #tpu.memory_space<hbm>>
      %dma_wait3A_1030 = arith.constant 0 : i32
      %dma_wait3A_1031 = arith.constant 0 : i32
      %dma_wait3A_1032 = tpu.memref_slice %arg6[%dma_wait3A_1021, %dma_wait3A_1030, %dma_wait3A_1031] : memref<6x128x128xf32, #tpu.memory_space<vmem>> -> memref<1x128x128xf32, #tpu.memory_space<vmem>>
      %dma_wait3A_1033 = tpu.memref_squeeze %dma_wait3A_1032 : memref<1x128x128xf32, #tpu.memory_space<vmem>> -> memref<128x128xf32, #tpu.memory_space<vmem>>
      tpu.wait_dma2 semaphore(%arg15 : memref<!tpu.dma_semaphore, #tpu.memory_space<semaphore_mem>>) src(%dma_wait3A_1033 : memref<128x128xf32, #tpu.memory_space<vmem>>) dst(%dma_wait3A_1029 : memref<128x128xf32, #tpu.memory_space<hbm>>)
      %dma_start3A_1034 = arith.constant 2 : i32
      %dma_start3A_1035 = arith.constant 0 : i32
      %dma_start3A_1036 = arith.constant 0 : i32
      %dma_start3A_1037 = tpu.memref_slice %arg6[%dma_start3A_1034, %dma_start3A_1035, %dma_start3A_1036] : memref<6x128x128xf32, #tpu.memory_space<vmem>> -> memref<1x128x128xf32, #tpu.memory_space<vmem>>
      %dma_start3A_1038 = tpu.memref_squeeze %dma_start3A_1037 : memref<1x128x128xf32, #tpu.memory_space<vmem>> -> memref<128x128xf32, #tpu.memory_space<vmem>>
      %dma_start3A_1039 = arith.constant 0 : i32
      %dma_start3A_1040 = tpu.memref_slice %arg5[%add3A_1015, %dma_start3A_1039] : memref<50x128xi32, #tpu.memory_space<vmem>> -> memref<1x128xi32, #tpu.memory_space<vmem>>
      %dma_start3A_1041 = tpu.memref_squeeze %dma_start3A_1040 : memref<1x128xi32, #tpu.memory_space<vmem>> -> memref<128xi32, #tpu.memory_space<vmem>>
      %dma_start3A_1042 = arith.constant 0 : i32
      %dma_start3A_1043 = arith.constant 0 : i32
      %dma_start3A_1044 = tpu.memref_slice %arg3[%dma_start3A_1042, %dma_start3A_1043] : memref<100000x128xf32, #tpu.memory_space<hbm>> -> memref<100000x128xf32, #tpu.memory_space<hbm>>
      tpu.enqueue_indirect_dma source(%dma_start3A_1044 : memref<100000x128xf32, #tpu.memory_space<hbm>>) target(%dma_start3A_1038 : memref<128x128xf32, #tpu.memory_space<vmem>>) offsets(%dma_start3A_1041 : memref<128xi32, #tpu.memory_space<vmem>>) semaphore(%arg9 : memref<!tpu.dma_semaphore, #tpu.memory_space<semaphore_mem>>)
      %dma_wait3A_1045 = arith.constant 4 : i32
      %dma_wait3A_1046 = arith.constant 0 : i32
      %dma_wait3A_1047 = arith.constant 0 : i32
      %dma_wait3A_1048 = tpu.memref_slice %arg6[%dma_wait3A_1045, %dma_wait3A_1046, %dma_wait3A_1047] : memref<6x128x128xf32, #tpu.memory_space<vmem>> -> memref<1x128x128xf32, #tpu.memory_space<vmem>>
      %dma_wait3A_1049 = tpu.memref_squeeze %dma_wait3A_1048 : memref<1x128x128xf32, #tpu.memory_space<vmem>> -> memref<128x128xf32, #tpu.memory_space<vmem>>
      %dma_wait3A_1050 = arith.constant 0 : i32
      %dma_wait3A_1051 = tpu.memref_slice %arg5[%add3A_1013, %dma_wait3A_1050] : memref<50x128xi32, #tpu.memory_space<vmem>> -> memref<1x128xi32, #tpu.memory_space<vmem>>
      %dma_wait3A_1052 = tpu.memref_squeeze %dma_wait3A_1051 : memref<1x128xi32, #tpu.memory_space<vmem>> -> memref<128xi32, #tpu.memory_space<vmem>>
      %dma_wait3A_1053 = arith.constant 0 : i32
      %dma_wait3A_1054 = arith.constant 0 : i32
      %dma_wait3A_1055 = tpu.memref_slice %arg3[%dma_wait3A_1053, %dma_wait3A_1054] : memref<100000x128xf32, #tpu.memory_space<hbm>> -> memref<100000x128xf32, #tpu.memory_space<hbm>>
      tpu.wait_indirect_dma semaphore(%arg11 : memref<!tpu.dma_semaphore, #tpu.memory_space<semaphore_mem>>) src(%dma_wait3A_1055 : memref<100000x128xf32, #tpu.memory_space<hbm>>) dst(%dma_wait3A_1049 : memref<128x128xf32, #tpu.memory_space<vmem>>)
      %mul3A_1056 = arith.constant 128 : i32
      %mul3A_1057 = arith.muli %add3A_1013, %mul3A_1056 : i32
      %add3A_1058 = arith.addi %mul3A_2, %mul3A_1057 : i32
      %dma_start3A_1059 = arith.constant 4 : i32
      %dma_start3A_1060 = arith.constant 0 : i32
      %dma_start3A_1061 = arith.constant 0 : i32
      %dma_start3A_1062 = tpu.memref_slice %arg6[%dma_start3A_1059, %dma_start3A_1060, %dma_start3A_1061] : memref<6x128x128xf32, #tpu.memory_space<vmem>> -> memref<1x128x128xf32, #tpu.memory_space<vmem>>
      %dma_start3A_1063 = tpu.memref_squeeze %dma_start3A_1062 : memref<1x128x128xf32, #tpu.memory_space<vmem>> -> memref<128x128xf32, #tpu.memory_space<vmem>>
      %dma_start3A_1064 = arith.constant 0 : i32
      %dma_start3A_1065 = tpu.memref_slice %arg4[%add3A_1058, %dma_start3A_1064] : memref<204800x128xf32, #tpu.memory_space<hbm>> -> memref<128x128xf32, #tpu.memory_space<hbm>>
      %dma_start3A_1066 = arith.constant 0 : i32
      %dma_start3A_1067 = tpu.memref_slice %arg4[%add3A_1058, %dma_start3A_1066] : memref<204800x128xf32, #tpu.memory_space<hbm>> -> memref<128x128xf32, #tpu.memory_space<hbm>>
      %dma_start3A_1068 = arith.constant 0 : i32
      %dma_start3A_1069 = arith.constant 0 : i32
      %dma_start3A_1070 = tpu.memref_slice %arg6[%dma_start3A_1059, %dma_start3A_1068, %dma_start3A_1069] : memref<6x128x128xf32, #tpu.memory_space<vmem>> -> memref<1x128x128xf32, #tpu.memory_space<vmem>>
      %dma_start3A_1071 = tpu.memref_squeeze %dma_start3A_1070 : memref<1x128x128xf32, #tpu.memory_space<vmem>> -> memref<128x128xf32, #tpu.memory_space<vmem>>
      tpu.enqueue_dma source(%dma_start3A_1071 : memref<128x128xf32, #tpu.memory_space<vmem>>) target(%dma_start3A_1067 : memref<128x128xf32, #tpu.memory_space<hbm>>) target_semaphore(%arg17 : memref<!tpu.dma_semaphore, #tpu.memory_space<semaphore_mem>>)
      %mul3A_1072 = arith.constant 6 : i32
      %mul3A_1073 = arith.muli %scan3A_762, %mul3A_1072 : i32
      %add3A_1074 = arith.constant 5 : i32
      %add3A_1075 = arith.addi %mul3A_1073, %add3A_1074 : i32
      %add3A_1076 = arith.constant 4 : i32
      %add3A_1077 = arith.addi %add3A_1075, %add3A_1076 : i32
      %sub3A_1078 = arith.constant 6 : i32
      %sub3A_1079 = arith.subi %add3A_1077, %sub3A_1078 : i32
      %mul3A_1080 = arith.constant 128 : i32
      %mul3A_1081 = arith.muli %sub3A_1079, %mul3A_1080 : i32
      %add3A_1082 = arith.addi %mul3A_2, %mul3A_1081 : i32
      %dma_wait3A_1083 = arith.constant 3 : i32
      %dma_wait3A_1084 = arith.constant 0 : i32
      %dma_wait3A_1085 = arith.constant 0 : i32
      %dma_wait3A_1086 = tpu.memref_slice %arg6[%dma_wait3A_1083, %dma_wait3A_1084, %dma_wait3A_1085] : memref<6x128x128xf32, #tpu.memory_space<vmem>> -> memref<1x128x128xf32, #tpu.memory_space<vmem>>
      %dma_wait3A_1087 = tpu.memref_squeeze %dma_wait3A_1086 : memref<1x128x128xf32, #tpu.memory_space<vmem>> -> memref<128x128xf32, #tpu.memory_space<vmem>>
      %dma_wait3A_1088 = arith.constant 0 : i32
      %dma_wait3A_1089 = tpu.memref_slice %arg4[%add3A_1082, %dma_wait3A_1088] : memref<204800x128xf32, #tpu.memory_space<hbm>> -> memref<128x128xf32, #tpu.memory_space<hbm>>
      %dma_wait3A_1090 = arith.constant 0 : i32
      %dma_wait3A_1091 = tpu.memref_slice %arg4[%add3A_1082, %dma_wait3A_1090] : memref<204800x128xf32, #tpu.memory_space<hbm>> -> memref<128x128xf32, #tpu.memory_space<hbm>>
      %dma_wait3A_1092 = arith.constant 0 : i32
      %dma_wait3A_1093 = arith.constant 0 : i32
      %dma_wait3A_1094 = tpu.memref_slice %arg6[%dma_wait3A_1083, %dma_wait3A_1092, %dma_wait3A_1093] : memref<6x128x128xf32, #tpu.memory_space<vmem>> -> memref<1x128x128xf32, #tpu.memory_space<vmem>>
      %dma_wait3A_1095 = tpu.memref_squeeze %dma_wait3A_1094 : memref<1x128x128xf32, #tpu.memory_space<vmem>> -> memref<128x128xf32, #tpu.memory_space<vmem>>
      tpu.wait_dma2 semaphore(%arg16 : memref<!tpu.dma_semaphore, #tpu.memory_space<semaphore_mem>>) src(%dma_wait3A_1095 : memref<128x128xf32, #tpu.memory_space<vmem>>) dst(%dma_wait3A_1091 : memref<128x128xf32, #tpu.memory_space<hbm>>)
      %dma_start3A_1096 = arith.constant 3 : i32
      %dma_start3A_1097 = arith.constant 0 : i32
      %dma_start3A_1098 = arith.constant 0 : i32
      %dma_start3A_1099 = tpu.memref_slice %arg6[%dma_start3A_1096, %dma_start3A_1097, %dma_start3A_1098] : memref<6x128x128xf32, #tpu.memory_space<vmem>> -> memref<1x128x128xf32, #tpu.memory_space<vmem>>
      %dma_start3A_1100 = tpu.memref_squeeze %dma_start3A_1099 : memref<1x128x128xf32, #tpu.memory_space<vmem>> -> memref<128x128xf32, #tpu.memory_space<vmem>>
      %dma_start3A_1101 = arith.constant 0 : i32
      %dma_start3A_1102 = tpu.memref_slice %arg5[%add3A_1077, %dma_start3A_1101] : memref<50x128xi32, #tpu.memory_space<vmem>> -> memref<1x128xi32, #tpu.memory_space<vmem>>
      %dma_start3A_1103 = tpu.memref_squeeze %dma_start3A_1102 : memref<1x128xi32, #tpu.memory_space<vmem>> -> memref<128xi32, #tpu.memory_space<vmem>>
      %dma_start3A_1104 = arith.constant 0 : i32
      %dma_start3A_1105 = arith.constant 0 : i32
      %dma_start3A_1106 = tpu.memref_slice %arg3[%dma_start3A_1104, %dma_start3A_1105] : memref<100000x128xf32, #tpu.memory_space<hbm>> -> memref<100000x128xf32, #tpu.memory_space<hbm>>
      tpu.enqueue_indirect_dma source(%dma_start3A_1106 : memref<100000x128xf32, #tpu.memory_space<hbm>>) target(%dma_start3A_1100 : memref<128x128xf32, #tpu.memory_space<vmem>>) offsets(%dma_start3A_1103 : memref<128xi32, #tpu.memory_space<vmem>>) semaphore(%arg10 : memref<!tpu.dma_semaphore, #tpu.memory_space<semaphore_mem>>)
      %dma_wait3A_1107 = arith.constant 5 : i32
      %dma_wait3A_1108 = arith.constant 0 : i32
      %dma_wait3A_1109 = arith.constant 0 : i32
      %dma_wait3A_1110 = tpu.memref_slice %arg6[%dma_wait3A_1107, %dma_wait3A_1108, %dma_wait3A_1109] : memref<6x128x128xf32, #tpu.memory_space<vmem>> -> memref<1x128x128xf32, #tpu.memory_space<vmem>>
      %dma_wait3A_1111 = tpu.memref_squeeze %dma_wait3A_1110 : memref<1x128x128xf32, #tpu.memory_space<vmem>> -> memref<128x128xf32, #tpu.memory_space<vmem>>
      %dma_wait3A_1112 = arith.constant 0 : i32
      %dma_wait3A_1113 = tpu.memref_slice %arg5[%add3A_1075, %dma_wait3A_1112] : memref<50x128xi32, #tpu.memory_space<vmem>> -> memref<1x128xi32, #tpu.memory_space<vmem>>
      %dma_wait3A_1114 = tpu.memref_squeeze %dma_wait3A_1113 : memref<1x128xi32, #tpu.memory_space<vmem>> -> memref<128xi32, #tpu.memory_space<vmem>>
      %dma_wait3A_1115 = arith.constant 0 : i32
      %dma_wait3A_1116 = arith.constant 0 : i32
      %dma_wait3A_1117 = tpu.memref_slice %arg3[%dma_wait3A_1115, %dma_wait3A_1116] : memref<100000x128xf32, #tpu.memory_space<hbm>> -> memref<100000x128xf32, #tpu.memory_space<hbm>>
      tpu.wait_indirect_dma semaphore(%arg12 : memref<!tpu.dma_semaphore, #tpu.memory_space<semaphore_mem>>) src(%dma_wait3A_1117 : memref<100000x128xf32, #tpu.memory_space<hbm>>) dst(%dma_wait3A_1111 : memref<128x128xf32, #tpu.memory_space<vmem>>)
      %mul3A_1118 = arith.constant 128 : i32
      %mul3A_1119 = arith.muli %add3A_1075, %mul3A_1118 : i32
      %add3A_1120 = arith.addi %mul3A_2, %mul3A_1119 : i32
      %dma_start3A_1121 = arith.constant 5 : i32
      %dma_start3A_1122 = arith.constant 0 : i32
      %dma_start3A_1123 = arith.constant 0 : i32
      %dma_start3A_1124 = tpu.memref_slice %arg6[%dma_start3A_1121, %dma_start3A_1122, %dma_start3A_1123] : memref<6x128x128xf32, #tpu.memory_space<vmem>> -> memref<1x128x128xf32, #tpu.memory_space<vmem>>
      %dma_start3A_1125 = tpu.memref_squeeze %dma_start3A_1124 : memref<1x128x128xf32, #tpu.memory_space<vmem>> -> memref<128x128xf32, #tpu.memory_space<vmem>>
      %dma_start3A_1126 = arith.constant 0 : i32
      %dma_start3A_1127 = tpu.memref_slice %arg4[%add3A_1120, %dma_start3A_1126] : memref<204800x128xf32, #tpu.memory_space<hbm>> -> memref<128x128xf32, #tpu.memory_space<hbm>>
      %dma_start3A_1128 = arith.constant 0 : i32
      %dma_start3A_1129 = tpu.memref_slice %arg4[%add3A_1120, %dma_start3A_1128] : memref<204800x128xf32, #tpu.memory_space<hbm>> -> memref<128x128xf32, #tpu.memory_space<hbm>>
      %dma_start3A_1130 = arith.constant 0 : i32
      %dma_start3A_1131 = arith.constant 0 : i32
      %dma_start3A_1132 = tpu.memref_slice %arg6[%dma_start3A_1121, %dma_start3A_1130, %dma_start3A_1131] : memref<6x128x128xf32, #tpu.memory_space<vmem>> -> memref<1x128x128xf32, #tpu.memory_space<vmem>>
      %dma_start3A_1133 = tpu.memref_squeeze %dma_start3A_1132 : memref<1x128x128xf32, #tpu.memory_space<vmem>> -> memref<128x128xf32, #tpu.memory_space<vmem>>
      tpu.enqueue_dma source(%dma_start3A_1133 : memref<128x128xf32, #tpu.memory_space<vmem>>) target(%dma_start3A_1129 : memref<128x128xf32, #tpu.memory_space<hbm>>) target_semaphore(%arg18 : memref<!tpu.dma_semaphore, #tpu.memory_space<semaphore_mem>>)
    }
    %scan3A_347 = arith.constant 6 : i32
    %add3A_348 = arith.constant 5120 : i32
    %add3A_349 = arith.addi %mul3A_2, %add3A_348 : i32
    %dma_wait3A_350 = arith.constant 4 : i32
    %dma_wait3A_351 = arith.constant 0 : i32
    %dma_wait3A_352 = arith.constant 0 : i32
    %dma_wait3A_353 = tpu.memref_slice %arg6[%dma_wait3A_350, %dma_wait3A_351, %dma_wait3A_352] : memref<6x128x128xf32, #tpu.memory_space<vmem>> -> memref<1x128x128xf32, #tpu.memory_space<vmem>>
    %dma_wait3A_354 = tpu.memref_squeeze %dma_wait3A_353 : memref<1x128x128xf32, #tpu.memory_space<vmem>> -> memref<128x128xf32, #tpu.memory_space<vmem>>
    %dma_wait3A_355 = arith.constant 0 : i32
    %dma_wait3A_356 = tpu.memref_slice %arg4[%add3A_349, %dma_wait3A_355] : memref<204800x128xf32, #tpu.memory_space<hbm>> -> memref<128x128xf32, #tpu.memory_space<hbm>>
    %dma_wait3A_357 = arith.constant 0 : i32
    %dma_wait3A_358 = tpu.memref_slice %arg4[%add3A_349, %dma_wait3A_357] : memref<204800x128xf32, #tpu.memory_space<hbm>> -> memref<128x128xf32, #tpu.memory_space<hbm>>
    %dma_wait3A_359 = arith.constant 0 : i32
    %dma_wait3A_360 = arith.constant 0 : i32
    %dma_wait3A_361 = tpu.memref_slice %arg6[%dma_wait3A_350, %dma_wait3A_359, %dma_wait3A_360] : memref<6x128x128xf32, #tpu.memory_space<vmem>> -> memref<1x128x128xf32, #tpu.memory_space<vmem>>
    %dma_wait3A_362 = tpu.memref_squeeze %dma_wait3A_361 : memref<1x128x128xf32, #tpu.memory_space<vmem>> -> memref<128x128xf32, #tpu.memory_space<vmem>>
    tpu.wait_dma2 semaphore(%arg17 : memref<!tpu.dma_semaphore, #tpu.memory_space<semaphore_mem>>) src(%dma_wait3A_362 : memref<128x128xf32, #tpu.memory_space<vmem>>) dst(%dma_wait3A_358 : memref<128x128xf32, #tpu.memory_space<hbm>>)
    %dma_start3A_363 = arith.constant 46 : i32
    %dma_start3A_364 = arith.constant 4 : i32
    %dma_start3A_365 = arith.constant 0 : i32
    %dma_start3A_366 = arith.constant 0 : i32
    %dma_start3A_367 = tpu.memref_slice %arg6[%dma_start3A_364, %dma_start3A_365, %dma_start3A_366] : memref<6x128x128xf32, #tpu.memory_space<vmem>> -> memref<1x128x128xf32, #tpu.memory_space<vmem>>
    %dma_start3A_368 = tpu.memref_squeeze %dma_start3A_367 : memref<1x128x128xf32, #tpu.memory_space<vmem>> -> memref<128x128xf32, #tpu.memory_space<vmem>>
    %dma_start3A_369 = arith.constant 0 : i32
    %dma_start3A_370 = tpu.memref_slice %arg5[%dma_start3A_363, %dma_start3A_369] : memref<50x128xi32, #tpu.memory_space<vmem>> -> memref<1x128xi32, #tpu.memory_space<vmem>>
    %dma_start3A_371 = tpu.memref_squeeze %dma_start3A_370 : memref<1x128xi32, #tpu.memory_space<vmem>> -> memref<128xi32, #tpu.memory_space<vmem>>
    %dma_start3A_372 = arith.constant 0 : i32
    %dma_start3A_373 = arith.constant 0 : i32
    %dma_start3A_374 = tpu.memref_slice %arg3[%dma_start3A_372, %dma_start3A_373] : memref<100000x128xf32, #tpu.memory_space<hbm>> -> memref<100000x128xf32, #tpu.memory_space<hbm>>
    tpu.enqueue_indirect_dma source(%dma_start3A_374 : memref<100000x128xf32, #tpu.memory_space<hbm>>) target(%dma_start3A_368 : memref<128x128xf32, #tpu.memory_space<vmem>>) offsets(%dma_start3A_371 : memref<128xi32, #tpu.memory_space<vmem>>) semaphore(%arg11 : memref<!tpu.dma_semaphore, #tpu.memory_space<semaphore_mem>>)
    %dma_wait3A_375 = arith.constant 42 : i32
    %dma_wait3A_376 = arith.constant 0 : i32
    %dma_wait3A_377 = arith.constant 0 : i32
    %dma_wait3A_378 = arith.constant 0 : i32
    %dma_wait3A_379 = tpu.memref_slice %arg6[%dma_wait3A_376, %dma_wait3A_377, %dma_wait3A_378] : memref<6x128x128xf32, #tpu.memory_space<vmem>> -> memref<1x128x128xf32, #tpu.memory_space<vmem>>
    %dma_wait3A_380 = tpu.memref_squeeze %dma_wait3A_379 : memref<1x128x128xf32, #tpu.memory_space<vmem>> -> memref<128x128xf32, #tpu.memory_space<vmem>>
    %dma_wait3A_381 = arith.constant 0 : i32
    %dma_wait3A_382 = tpu.memref_slice %arg5[%dma_wait3A_375, %dma_wait3A_381] : memref<50x128xi32, #tpu.memory_space<vmem>> -> memref<1x128xi32, #tpu.memory_space<vmem>>
    %dma_wait3A_383 = tpu.memref_squeeze %dma_wait3A_382 : memref<1x128xi32, #tpu.memory_space<vmem>> -> memref<128xi32, #tpu.memory_space<vmem>>
    %dma_wait3A_384 = arith.constant 0 : i32
    %dma_wait3A_385 = arith.constant 0 : i32
    %dma_wait3A_386 = tpu.memref_slice %arg3[%dma_wait3A_384, %dma_wait3A_385] : memref<100000x128xf32, #tpu.memory_space<hbm>> -> memref<100000x128xf32, #tpu.memory_space<hbm>>
    tpu.wait_indirect_dma semaphore(%arg7 : memref<!tpu.dma_semaphore, #tpu.memory_space<semaphore_mem>>) src(%dma_wait3A_386 : memref<100000x128xf32, #tpu.memory_space<hbm>>) dst(%dma_wait3A_380 : memref<128x128xf32, #tpu.memory_space<vmem>>)
    %add3A_387 = arith.constant 5376 : i32
    %add3A_388 = arith.addi %mul3A_2, %add3A_387 : i32
    %dma_start3A_389 = arith.constant 0 : i32
    %dma_start3A_390 = arith.constant 0 : i32
    %dma_start3A_391 = arith.constant 0 : i32
    %dma_start3A_392 = tpu.memref_slice %arg6[%dma_start3A_389, %dma_start3A_390, %dma_start3A_391] : memref<6x128x128xf32, #tpu.memory_space<vmem>> -> memref<1x128x128xf32, #tpu.memory_space<vmem>>
    %dma_start3A_393 = tpu.memref_squeeze %dma_start3A_392 : memref<1x128x128xf32, #tpu.memory_space<vmem>> -> memref<128x128xf32, #tpu.memory_space<vmem>>
    %dma_start3A_394 = arith.constant 0 : i32
    %dma_start3A_395 = tpu.memref_slice %arg4[%add3A_388, %dma_start3A_394] : memref<204800x128xf32, #tpu.memory_space<hbm>> -> memref<128x128xf32, #tpu.memory_space<hbm>>
    %dma_start3A_396 = arith.constant 0 : i32
    %dma_start3A_397 = tpu.memref_slice %arg4[%add3A_388, %dma_start3A_396] : memref<204800x128xf32, #tpu.memory_space<hbm>> -> memref<128x128xf32, #tpu.memory_space<hbm>>
    %dma_start3A_398 = arith.constant 0 : i32
    %dma_start3A_399 = arith.constant 0 : i32
    %dma_start3A_400 = tpu.memref_slice %arg6[%dma_start3A_389, %dma_start3A_398, %dma_start3A_399] : memref<6x128x128xf32, #tpu.memory_space<vmem>> -> memref<1x128x128xf32, #tpu.memory_space<vmem>>
    %dma_start3A_401 = tpu.memref_squeeze %dma_start3A_400 : memref<1x128x128xf32, #tpu.memory_space<vmem>> -> memref<128x128xf32, #tpu.memory_space<vmem>>
    tpu.enqueue_dma source(%dma_start3A_401 : memref<128x128xf32, #tpu.memory_space<vmem>>) target(%dma_start3A_397 : memref<128x128xf32, #tpu.memory_space<hbm>>) target_semaphore(%arg13 : memref<!tpu.dma_semaphore, #tpu.memory_space<semaphore_mem>>)
    %add3A_402 = arith.constant 5248 : i32
    %add3A_403 = arith.addi %mul3A_2, %add3A_402 : i32
    %dma_wait3A_404 = arith.constant 5 : i32
    %dma_wait3A_405 = arith.constant 0 : i32
    %dma_wait3A_406 = arith.constant 0 : i32
    %dma_wait3A_407 = tpu.memref_slice %arg6[%dma_wait3A_404, %dma_wait3A_405, %dma_wait3A_406] : memref<6x128x128xf32, #tpu.memory_space<vmem>> -> memref<1x128x128xf32, #tpu.memory_space<vmem>>
    %dma_wait3A_408 = tpu.memref_squeeze %dma_wait3A_407 : memref<1x128x128xf32, #tpu.memory_space<vmem>> -> memref<128x128xf32, #tpu.memory_space<vmem>>
    %dma_wait3A_409 = arith.constant 0 : i32
    %dma_wait3A_410 = tpu.memref_slice %arg4[%add3A_403, %dma_wait3A_409] : memref<204800x128xf32, #tpu.memory_space<hbm>> -> memref<128x128xf32, #tpu.memory_space<hbm>>
    %dma_wait3A_411 = arith.constant 0 : i32
    %dma_wait3A_412 = tpu.memref_slice %arg4[%add3A_403, %dma_wait3A_411] : memref<204800x128xf32, #tpu.memory_space<hbm>> -> memref<128x128xf32, #tpu.memory_space<hbm>>
    %dma_wait3A_413 = arith.constant 0 : i32
    %dma_wait3A_414 = arith.constant 0 : i32
    %dma_wait3A_415 = tpu.memref_slice %arg6[%dma_wait3A_404, %dma_wait3A_413, %dma_wait3A_414] : memref<6x128x128xf32, #tpu.memory_space<vmem>> -> memref<1x128x128xf32, #tpu.memory_space<vmem>>
    %dma_wait3A_416 = tpu.memref_squeeze %dma_wait3A_415 : memref<1x128x128xf32, #tpu.memory_space<vmem>> -> memref<128x128xf32, #tpu.memory_space<vmem>>
    tpu.wait_dma2 semaphore(%arg18 : memref<!tpu.dma_semaphore, #tpu.memory_space<semaphore_mem>>) src(%dma_wait3A_416 : memref<128x128xf32, #tpu.memory_space<vmem>>) dst(%dma_wait3A_412 : memref<128x128xf32, #tpu.memory_space<hbm>>)
    %dma_start3A_417 = arith.constant 47 : i32
    %dma_start3A_418 = arith.constant 5 : i32
    %dma_start3A_419 = arith.constant 0 : i32
    %dma_start3A_420 = arith.constant 0 : i32
    %dma_start3A_421 = tpu.memref_slice %arg6[%dma_start3A_418, %dma_start3A_419, %dma_start3A_420] : memref<6x128x128xf32, #tpu.memory_space<vmem>> -> memref<1x128x128xf32, #tpu.memory_space<vmem>>
    %dma_start3A_422 = tpu.memref_squeeze %dma_start3A_421 : memref<1x128x128xf32, #tpu.memory_space<vmem>> -> memref<128x128xf32, #tpu.memory_space<vmem>>
    %dma_start3A_423 = arith.constant 0 : i32
    %dma_start3A_424 = tpu.memref_slice %arg5[%dma_start3A_417, %dma_start3A_423] : memref<50x128xi32, #tpu.memory_space<vmem>> -> memref<1x128xi32, #tpu.memory_space<vmem>>
    %dma_start3A_425 = tpu.memref_squeeze %dma_start3A_424 : memref<1x128xi32, #tpu.memory_space<vmem>> -> memref<128xi32, #tpu.memory_space<vmem>>
    %dma_start3A_426 = arith.constant 0 : i32
    %dma_start3A_427 = arith.constant 0 : i32
    %dma_start3A_428 = tpu.memref_slice %arg3[%dma_start3A_426, %dma_start3A_427] : memref<100000x128xf32, #tpu.memory_space<hbm>> -> memref<100000x128xf32, #tpu.memory_space<hbm>>
    tpu.enqueue_indirect_dma source(%dma_start3A_428 : memref<100000x128xf32, #tpu.memory_space<hbm>>) target(%dma_start3A_422 : memref<128x128xf32, #tpu.memory_space<vmem>>) offsets(%dma_start3A_425 : memref<128xi32, #tpu.memory_space<vmem>>) semaphore(%arg12 : memref<!tpu.dma_semaphore, #tpu.memory_space<semaphore_mem>>)
    %dma_wait3A_429 = arith.constant 43 : i32
    %dma_wait3A_430 = arith.constant 1 : i32
    %dma_wait3A_431 = arith.constant 0 : i32
    %dma_wait3A_432 = arith.constant 0 : i32
    %dma_wait3A_433 = tpu.memref_slice %arg6[%dma_wait3A_430, %dma_wait3A_431, %dma_wait3A_432] : memref<6x128x128xf32, #tpu.memory_space<vmem>> -> memref<1x128x128xf32, #tpu.memory_space<vmem>>
    %dma_wait3A_434 = tpu.memref_squeeze %dma_wait3A_433 : memref<1x128x128xf32, #tpu.memory_space<vmem>> -> memref<128x128xf32, #tpu.memory_space<vmem>>
    %dma_wait3A_435 = arith.constant 0 : i32
    %dma_wait3A_436 = tpu.memref_slice %arg5[%dma_wait3A_429, %dma_wait3A_435] : memref<50x128xi32, #tpu.memory_space<vmem>> -> memref<1x128xi32, #tpu.memory_space<vmem>>
    %dma_wait3A_437 = tpu.memref_squeeze %dma_wait3A_436 : memref<1x128xi32, #tpu.memory_space<vmem>> -> memref<128xi32, #tpu.memory_space<vmem>>
    %dma_wait3A_438 = arith.constant 0 : i32
    %dma_wait3A_439 = arith.constant 0 : i32
    %dma_wait3A_440 = tpu.memref_slice %arg3[%dma_wait3A_438, %dma_wait3A_439] : memref<100000x128xf32, #tpu.memory_space<hbm>> -> memref<100000x128xf32, #tpu.memory_space<hbm>>
    tpu.wait_indirect_dma semaphore(%arg8 : memref<!tpu.dma_semaphore, #tpu.memory_space<semaphore_mem>>) src(%dma_wait3A_440 : memref<100000x128xf32, #tpu.memory_space<hbm>>) dst(%dma_wait3A_434 : memref<128x128xf32, #tpu.memory_space<vmem>>)
    %add3A_441 = arith.constant 5504 : i32
    %add3A_442 = arith.addi %mul3A_2, %add3A_441 : i32
    %dma_start3A_443 = arith.constant 1 : i32
    %dma_start3A_444 = arith.constant 0 : i32
    %dma_start3A_445 = arith.constant 0 : i32
    %dma_start3A_446 = tpu.memref_slice %arg6[%dma_start3A_443, %dma_start3A_444, %dma_start3A_445] : memref<6x128x128xf32, #tpu.memory_space<vmem>> -> memref<1x128x128xf32, #tpu.memory_space<vmem>>
    %dma_start3A_447 = tpu.memref_squeeze %dma_start3A_446 : memref<1x128x128xf32, #tpu.memory_space<vmem>> -> memref<128x128xf32, #tpu.memory_space<vmem>>
    %dma_start3A_448 = arith.constant 0 : i32
    %dma_start3A_449 = tpu.memref_slice %arg4[%add3A_442, %dma_start3A_448] : memref<204800x128xf32, #tpu.memory_space<hbm>> -> memref<128x128xf32, #tpu.memory_space<hbm>>
    %dma_start3A_450 = arith.constant 0 : i32
    %dma_start3A_451 = tpu.memref_slice %arg4[%add3A_442, %dma_start3A_450] : memref<204800x128xf32, #tpu.memory_space<hbm>> -> memref<128x128xf32, #tpu.memory_space<hbm>>
    %dma_start3A_452 = arith.constant 0 : i32
    %dma_start3A_453 = arith.constant 0 : i32
    %dma_start3A_454 = tpu.memref_slice %arg6[%dma_start3A_443, %dma_start3A_452, %dma_start3A_453] : memref<6x128x128xf32, #tpu.memory_space<vmem>> -> memref<1x128x128xf32, #tpu.memory_space<vmem>>
    %dma_start3A_455 = tpu.memref_squeeze %dma_start3A_454 : memref<1x128x128xf32, #tpu.memory_space<vmem>> -> memref<128x128xf32, #tpu.memory_space<vmem>>
    tpu.enqueue_dma source(%dma_start3A_455 : memref<128x128xf32, #tpu.memory_space<vmem>>) target(%dma_start3A_451 : memref<128x128xf32, #tpu.memory_space<hbm>>) target_semaphore(%arg14 : memref<!tpu.dma_semaphore, #tpu.memory_space<semaphore_mem>>)
    %add3A_456 = arith.constant 5376 : i32
    %add3A_457 = arith.addi %mul3A_2, %add3A_456 : i32
    %dma_wait3A_458 = arith.constant 0 : i32
    %dma_wait3A_459 = arith.constant 0 : i32
    %dma_wait3A_460 = arith.constant 0 : i32
    %dma_wait3A_461 = tpu.memref_slice %arg6[%dma_wait3A_458, %dma_wait3A_459, %dma_wait3A_460] : memref<6x128x128xf32, #tpu.memory_space<vmem>> -> memref<1x128x128xf32, #tpu.memory_space<vmem>>
    %dma_wait3A_462 = tpu.memref_squeeze %dma_wait3A_461 : memref<1x128x128xf32, #tpu.memory_space<vmem>> -> memref<128x128xf32, #tpu.memory_space<vmem>>
    %dma_wait3A_463 = arith.constant 0 : i32
    %dma_wait3A_464 = tpu.memref_slice %arg4[%add3A_457, %dma_wait3A_463] : memref<204800x128xf32, #tpu.memory_space<hbm>> -> memref<128x128xf32, #tpu.memory_space<hbm>>
    %dma_wait3A_465 = arith.constant 0 : i32
    %dma_wait3A_466 = tpu.memref_slice %arg4[%add3A_457, %dma_wait3A_465] : memref<204800x128xf32, #tpu.memory_space<hbm>> -> memref<128x128xf32, #tpu.memory_space<hbm>>
    %dma_wait3A_467 = arith.constant 0 : i32
    %dma_wait3A_468 = arith.constant 0 : i32
    %dma_wait3A_469 = tpu.memref_slice %arg6[%dma_wait3A_458, %dma_wait3A_467, %dma_wait3A_468] : memref<6x128x128xf32, #tpu.memory_space<vmem>> -> memref<1x128x128xf32, #tpu.memory_space<vmem>>
    %dma_wait3A_470 = tpu.memref_squeeze %dma_wait3A_469 : memref<1x128x128xf32, #tpu.memory_space<vmem>> -> memref<128x128xf32, #tpu.memory_space<vmem>>
    tpu.wait_dma2 semaphore(%arg13 : memref<!tpu.dma_semaphore, #tpu.memory_space<semaphore_mem>>) src(%dma_wait3A_470 : memref<128x128xf32, #tpu.memory_space<vmem>>) dst(%dma_wait3A_466 : memref<128x128xf32, #tpu.memory_space<hbm>>)
    %dma_start3A_471 = arith.constant 48 : i32
    %dma_start3A_472 = arith.constant 0 : i32
    %dma_start3A_473 = arith.constant 0 : i32
    %dma_start3A_474 = arith.constant 0 : i32
    %dma_start3A_475 = tpu.memref_slice %arg6[%dma_start3A_472, %dma_start3A_473, %dma_start3A_474] : memref<6x128x128xf32, #tpu.memory_space<vmem>> -> memref<1x128x128xf32, #tpu.memory_space<vmem>>
    %dma_start3A_476 = tpu.memref_squeeze %dma_start3A_475 : memref<1x128x128xf32, #tpu.memory_space<vmem>> -> memref<128x128xf32, #tpu.memory_space<vmem>>
    %dma_start3A_477 = arith.constant 0 : i32
    %dma_start3A_478 = tpu.memref_slice %arg5[%dma_start3A_471, %dma_start3A_477] : memref<50x128xi32, #tpu.memory_space<vmem>> -> memref<1x128xi32, #tpu.memory_space<vmem>>
    %dma_start3A_479 = tpu.memref_squeeze %dma_start3A_478 : memref<1x128xi32, #tpu.memory_space<vmem>> -> memref<128xi32, #tpu.memory_space<vmem>>
    %dma_start3A_480 = arith.constant 0 : i32
    %dma_start3A_481 = arith.constant 0 : i32
    %dma_start3A_482 = tpu.memref_slice %arg3[%dma_start3A_480, %dma_start3A_481] : memref<100000x128xf32, #tpu.memory_space<hbm>> -> memref<100000x128xf32, #tpu.memory_space<hbm>>
    tpu.enqueue_indirect_dma source(%dma_start3A_482 : memref<100000x128xf32, #tpu.memory_space<hbm>>) target(%dma_start3A_476 : memref<128x128xf32, #tpu.memory_space<vmem>>) offsets(%dma_start3A_479 : memref<128xi32, #tpu.memory_space<vmem>>) semaphore(%arg7 : memref<!tpu.dma_semaphore, #tpu.memory_space<semaphore_mem>>)
    %dma_wait3A_483 = arith.constant 44 : i32
    %dma_wait3A_484 = arith.constant 2 : i32
    %dma_wait3A_485 = arith.constant 0 : i32
    %dma_wait3A_486 = arith.constant 0 : i32
    %dma_wait3A_487 = tpu.memref_slice %arg6[%dma_wait3A_484, %dma_wait3A_485, %dma_wait3A_486] : memref<6x128x128xf32, #tpu.memory_space<vmem>> -> memref<1x128x128xf32, #tpu.memory_space<vmem>>
    %dma_wait3A_488 = tpu.memref_squeeze %dma_wait3A_487 : memref<1x128x128xf32, #tpu.memory_space<vmem>> -> memref<128x128xf32, #tpu.memory_space<vmem>>
    %dma_wait3A_489 = arith.constant 0 : i32
    %dma_wait3A_490 = tpu.memref_slice %arg5[%dma_wait3A_483, %dma_wait3A_489] : memref<50x128xi32, #tpu.memory_space<vmem>> -> memref<1x128xi32, #tpu.memory_space<vmem>>
    %dma_wait3A_491 = tpu.memref_squeeze %dma_wait3A_490 : memref<1x128xi32, #tpu.memory_space<vmem>> -> memref<128xi32, #tpu.memory_space<vmem>>
    %dma_wait3A_492 = arith.constant 0 : i32
    %dma_wait3A_493 = arith.constant 0 : i32
    %dma_wait3A_494 = tpu.memref_slice %arg3[%dma_wait3A_492, %dma_wait3A_493] : memref<100000x128xf32, #tpu.memory_space<hbm>> -> memref<100000x128xf32, #tpu.memory_space<hbm>>
    tpu.wait_indirect_dma semaphore(%arg9 : memref<!tpu.dma_semaphore, #tpu.memory_space<semaphore_mem>>) src(%dma_wait3A_494 : memref<100000x128xf32, #tpu.memory_space<hbm>>) dst(%dma_wait3A_488 : memref<128x128xf32, #tpu.memory_space<vmem>>)
    %add3A_495 = arith.constant 5632 : i32
    %add3A_496 = arith.addi %mul3A_2, %add3A_495 : i32
    %dma_start3A_497 = arith.constant 2 : i32
    %dma_start3A_498 = arith.constant 0 : i32
    %dma_start3A_499 = arith.constant 0 : i32
    %dma_start3A_500 = tpu.memref_slice %arg6[%dma_start3A_497, %dma_start3A_498, %dma_start3A_499] : memref<6x128x128xf32, #tpu.memory_space<vmem>> -> memref<1x128x128xf32, #tpu.memory_space<vmem>>
    %dma_start3A_501 = tpu.memref_squeeze %dma_start3A_500 : memref<1x128x128xf32, #tpu.memory_space<vmem>> -> memref<128x128xf32, #tpu.memory_space<vmem>>
    %dma_start3A_502 = arith.constant 0 : i32
    %dma_start3A_503 = tpu.memref_slice %arg4[%add3A_496, %dma_start3A_502] : memref<204800x128xf32, #tpu.memory_space<hbm>> -> memref<128x128xf32, #tpu.memory_space<hbm>>
    %dma_start3A_504 = arith.constant 0 : i32
    %dma_start3A_505 = tpu.memref_slice %arg4[%add3A_496, %dma_start3A_504] : memref<204800x128xf32, #tpu.memory_space<hbm>> -> memref<128x128xf32, #tpu.memory_space<hbm>>
    %dma_start3A_506 = arith.constant 0 : i32
    %dma_start3A_507 = arith.constant 0 : i32
    %dma_start3A_508 = tpu.memref_slice %arg6[%dma_start3A_497, %dma_start3A_506, %dma_start3A_507] : memref<6x128x128xf32, #tpu.memory_space<vmem>> -> memref<1x128x128xf32, #tpu.memory_space<vmem>>
    %dma_start3A_509 = tpu.memref_squeeze %dma_start3A_508 : memref<1x128x128xf32, #tpu.memory_space<vmem>> -> memref<128x128xf32, #tpu.memory_space<vmem>>
    tpu.enqueue_dma source(%dma_start3A_509 : memref<128x128xf32, #tpu.memory_space<vmem>>) target(%dma_start3A_505 : memref<128x128xf32, #tpu.memory_space<hbm>>) target_semaphore(%arg15 : memref<!tpu.dma_semaphore, #tpu.memory_space<semaphore_mem>>)
    %add3A_510 = arith.constant 5504 : i32
    %add3A_511 = arith.addi %mul3A_2, %add3A_510 : i32
    %dma_wait3A_512 = arith.constant 1 : i32
    %dma_wait3A_513 = arith.constant 0 : i32
    %dma_wait3A_514 = arith.constant 0 : i32
    %dma_wait3A_515 = tpu.memref_slice %arg6[%dma_wait3A_512, %dma_wait3A_513, %dma_wait3A_514] : memref<6x128x128xf32, #tpu.memory_space<vmem>> -> memref<1x128x128xf32, #tpu.memory_space<vmem>>
    %dma_wait3A_516 = tpu.memref_squeeze %dma_wait3A_515 : memref<1x128x128xf32, #tpu.memory_space<vmem>> -> memref<128x128xf32, #tpu.memory_space<vmem>>
    %dma_wait3A_517 = arith.constant 0 : i32
    %dma_wait3A_518 = tpu.memref_slice %arg4[%add3A_511, %dma_wait3A_517] : memref<204800x128xf32, #tpu.memory_space<hbm>> -> memref<128x128xf32, #tpu.memory_space<hbm>>
    %dma_wait3A_519 = arith.constant 0 : i32
    %dma_wait3A_520 = tpu.memref_slice %arg4[%add3A_511, %dma_wait3A_519] : memref<204800x128xf32, #tpu.memory_space<hbm>> -> memref<128x128xf32, #tpu.memory_space<hbm>>
    %dma_wait3A_521 = arith.constant 0 : i32
    %dma_wait3A_522 = arith.constant 0 : i32
    %dma_wait3A_523 = tpu.memref_slice %arg6[%dma_wait3A_512, %dma_wait3A_521, %dma_wait3A_522] : memref<6x128x128xf32, #tpu.memory_space<vmem>> -> memref<1x128x128xf32, #tpu.memory_space<vmem>>
    %dma_wait3A_524 = tpu.memref_squeeze %dma_wait3A_523 : memref<1x128x128xf32, #tpu.memory_space<vmem>> -> memref<128x128xf32, #tpu.memory_space<vmem>>
    tpu.wait_dma2 semaphore(%arg14 : memref<!tpu.dma_semaphore, #tpu.memory_space<semaphore_mem>>) src(%dma_wait3A_524 : memref<128x128xf32, #tpu.memory_space<vmem>>) dst(%dma_wait3A_520 : memref<128x128xf32, #tpu.memory_space<hbm>>)
    %dma_start3A_525 = arith.constant 49 : i32
    %dma_start3A_526 = arith.constant 1 : i32
    %dma_start3A_527 = arith.constant 0 : i32
    %dma_start3A_528 = arith.constant 0 : i32
    %dma_start3A_529 = tpu.memref_slice %arg6[%dma_start3A_526, %dma_start3A_527, %dma_start3A_528] : memref<6x128x128xf32, #tpu.memory_space<vmem>> -> memref<1x128x128xf32, #tpu.memory_space<vmem>>
    %dma_start3A_530 = tpu.memref_squeeze %dma_start3A_529 : memref<1x128x128xf32, #tpu.memory_space<vmem>> -> memref<128x128xf32, #tpu.memory_space<vmem>>
    %dma_start3A_531 = arith.constant 0 : i32
    %dma_start3A_532 = tpu.memref_slice %arg5[%dma_start3A_525, %dma_start3A_531] : memref<50x128xi32, #tpu.memory_space<vmem>> -> memref<1x128xi32, #tpu.memory_space<vmem>>
    %dma_start3A_533 = tpu.memref_squeeze %dma_start3A_532 : memref<1x128xi32, #tpu.memory_space<vmem>> -> memref<128xi32, #tpu.memory_space<vmem>>
    %dma_start3A_534 = arith.constant 0 : i32
    %dma_start3A_535 = arith.constant 0 : i32
    %dma_start3A_536 = tpu.memref_slice %arg3[%dma_start3A_534, %dma_start3A_535] : memref<100000x128xf32, #tpu.memory_space<hbm>> -> memref<100000x128xf32, #tpu.memory_space<hbm>>
    tpu.enqueue_indirect_dma source(%dma_start3A_536 : memref<100000x128xf32, #tpu.memory_space<hbm>>) target(%dma_start3A_530 : memref<128x128xf32, #tpu.memory_space<vmem>>) offsets(%dma_start3A_533 : memref<128xi32, #tpu.memory_space<vmem>>) semaphore(%arg8 : memref<!tpu.dma_semaphore, #tpu.memory_space<semaphore_mem>>)
    %dma_wait3A_537 = arith.constant 45 : i32
    %dma_wait3A_538 = arith.constant 3 : i32
    %dma_wait3A_539 = arith.constant 0 : i32
    %dma_wait3A_540 = arith.constant 0 : i32
    %dma_wait3A_541 = tpu.memref_slice %arg6[%dma_wait3A_538, %dma_wait3A_539, %dma_wait3A_540] : memref<6x128x128xf32, #tpu.memory_space<vmem>> -> memref<1x128x128xf32, #tpu.memory_space<vmem>>
    %dma_wait3A_542 = tpu.memref_squeeze %dma_wait3A_541 : memref<1x128x128xf32, #tpu.memory_space<vmem>> -> memref<128x128xf32, #tpu.memory_space<vmem>>
    %dma_wait3A_543 = arith.constant 0 : i32
    %dma_wait3A_544 = tpu.memref_slice %arg5[%dma_wait3A_537, %dma_wait3A_543] : memref<50x128xi32, #tpu.memory_space<vmem>> -> memref<1x128xi32, #tpu.memory_space<vmem>>
    %dma_wait3A_545 = tpu.memref_squeeze %dma_wait3A_544 : memref<1x128xi32, #tpu.memory_space<vmem>> -> memref<128xi32, #tpu.memory_space<vmem>>
    %dma_wait3A_546 = arith.constant 0 : i32
    %dma_wait3A_547 = arith.constant 0 : i32
    %dma_wait3A_548 = tpu.memref_slice %arg3[%dma_wait3A_546, %dma_wait3A_547] : memref<100000x128xf32, #tpu.memory_space<hbm>> -> memref<100000x128xf32, #tpu.memory_space<hbm>>
    tpu.wait_indirect_dma semaphore(%arg10 : memref<!tpu.dma_semaphore, #tpu.memory_space<semaphore_mem>>) src(%dma_wait3A_548 : memref<100000x128xf32, #tpu.memory_space<hbm>>) dst(%dma_wait3A_542 : memref<128x128xf32, #tpu.memory_space<vmem>>)
    %add3A_549 = arith.constant 5760 : i32
    %add3A_550 = arith.addi %mul3A_2, %add3A_549 : i32
    %dma_start3A_551 = arith.constant 3 : i32
    %dma_start3A_552 = arith.constant 0 : i32
    %dma_start3A_553 = arith.constant 0 : i32
    %dma_start3A_554 = tpu.memref_slice %arg6[%dma_start3A_551, %dma_start3A_552, %dma_start3A_553] : memref<6x128x128xf32, #tpu.memory_space<vmem>> -> memref<1x128x128xf32, #tpu.memory_space<vmem>>
    %dma_start3A_555 = tpu.memref_squeeze %dma_start3A_554 : memref<1x128x128xf32, #tpu.memory_space<vmem>> -> memref<128x128xf32, #tpu.memory_space<vmem>>
    %dma_start3A_556 = arith.constant 0 : i32
    %dma_start3A_557 = tpu.memref_slice %arg4[%add3A_550, %dma_start3A_556] : memref<204800x128xf32, #tpu.memory_space<hbm>> -> memref<128x128xf32, #tpu.memory_space<hbm>>
    %dma_start3A_558 = arith.constant 0 : i32
    %dma_start3A_559 = tpu.memref_slice %arg4[%add3A_550, %dma_start3A_558] : memref<204800x128xf32, #tpu.memory_space<hbm>> -> memref<128x128xf32, #tpu.memory_space<hbm>>
    %dma_start3A_560 = arith.constant 0 : i32
    %dma_start3A_561 = arith.constant 0 : i32
    %dma_start3A_562 = tpu.memref_slice %arg6[%dma_start3A_551, %dma_start3A_560, %dma_start3A_561] : memref<6x128x128xf32, #tpu.memory_space<vmem>> -> memref<1x128x128xf32, #tpu.memory_space<vmem>>
    %dma_start3A_563 = tpu.memref_squeeze %dma_start3A_562 : memref<1x128x128xf32, #tpu.memory_space<vmem>> -> memref<128x128xf32, #tpu.memory_space<vmem>>
    tpu.enqueue_dma source(%dma_start3A_563 : memref<128x128xf32, #tpu.memory_space<vmem>>) target(%dma_start3A_559 : memref<128x128xf32, #tpu.memory_space<hbm>>) target_semaphore(%arg16 : memref<!tpu.dma_semaphore, #tpu.memory_space<semaphore_mem>>)
    %dma_wait3A_564 = arith.constant 46 : i32
    %dma_wait3A_565 = arith.constant 4 : i32
    %dma_wait3A_566 = arith.constant 0 : i32
    %dma_wait3A_567 = arith.constant 0 : i32
    %dma_wait3A_568 = tpu.memref_slice %arg6[%dma_wait3A_565, %dma_wait3A_566, %dma_wait3A_567] : memref<6x128x128xf32, #tpu.memory_space<vmem>> -> memref<1x128x128xf32, #tpu.memory_space<vmem>>
    %dma_wait3A_569 = tpu.memref_squeeze %dma_wait3A_568 : memref<1x128x128xf32, #tpu.memory_space<vmem>> -> memref<128x128xf32, #tpu.memory_space<vmem>>
    %dma_wait3A_570 = arith.constant 0 : i32
    %dma_wait3A_571 = tpu.memref_slice %arg5[%dma_wait3A_564, %dma_wait3A_570] : memref<50x128xi32, #tpu.memory_space<vmem>> -> memref<1x128xi32, #tpu.memory_space<vmem>>
    %dma_wait3A_572 = tpu.memref_squeeze %dma_wait3A_571 : memref<1x128xi32, #tpu.memory_space<vmem>> -> memref<128xi32, #tpu.memory_space<vmem>>
    %dma_wait3A_573 = arith.constant 0 : i32
    %dma_wait3A_574 = arith.constant 0 : i32
    %dma_wait3A_575 = tpu.memref_slice %arg3[%dma_wait3A_573, %dma_wait3A_574] : memref<100000x128xf32, #tpu.memory_space<hbm>> -> memref<100000x128xf32, #tpu.memory_space<hbm>>
    tpu.wait_indirect_dma semaphore(%arg11 : memref<!tpu.dma_semaphore, #tpu.memory_space<semaphore_mem>>) src(%dma_wait3A_575 : memref<100000x128xf32, #tpu.memory_space<hbm>>) dst(%dma_wait3A_569 : memref<128x128xf32, #tpu.memory_space<vmem>>)
    %add3A_576 = arith.constant 5888 : i32
    %add3A_577 = arith.addi %mul3A_2, %add3A_576 : i32
    %dma_start3A_578 = arith.constant 4 : i32
    %dma_start3A_579 = arith.constant 0 : i32
    %dma_start3A_580 = arith.constant 0 : i32
    %dma_start3A_581 = tpu.memref_slice %arg6[%dma_start3A_578, %dma_start3A_579, %dma_start3A_580] : memref<6x128x128xf32, #tpu.memory_space<vmem>> -> memref<1x128x128xf32, #tpu.memory_space<vmem>>
    %dma_start3A_582 = tpu.memref_squeeze %dma_start3A_581 : memref<1x128x128xf32, #tpu.memory_space<vmem>> -> memref<128x128xf32, #tpu.memory_space<vmem>>
    %dma_start3A_583 = arith.constant 0 : i32
    %dma_start3A_584 = tpu.memref_slice %arg4[%add3A_577, %dma_start3A_583] : memref<204800x128xf32, #tpu.memory_space<hbm>> -> memref<128x128xf32, #tpu.memory_space<hbm>>
    %dma_start3A_585 = arith.constant 0 : i32
    %dma_start3A_586 = tpu.memref_slice %arg4[%add3A_577, %dma_start3A_585] : memref<204800x128xf32, #tpu.memory_space<hbm>> -> memref<128x128xf32, #tpu.memory_space<hbm>>
    %dma_start3A_587 = arith.constant 0 : i32
    %dma_start3A_588 = arith.constant 0 : i32
    %dma_start3A_589 = tpu.memref_slice %arg6[%dma_start3A_578, %dma_start3A_587, %dma_start3A_588] : memref<6x128x128xf32, #tpu.memory_space<vmem>> -> memref<1x128x128xf32, #tpu.memory_space<vmem>>
    %dma_start3A_590 = tpu.memref_squeeze %dma_start3A_589 : memref<1x128x128xf32, #tpu.memory_space<vmem>> -> memref<128x128xf32, #tpu.memory_space<vmem>>
    tpu.enqueue_dma source(%dma_start3A_590 : memref<128x128xf32, #tpu.memory_space<vmem>>) target(%dma_start3A_586 : memref<128x128xf32, #tpu.memory_space<hbm>>) target_semaphore(%arg17 : memref<!tpu.dma_semaphore, #tpu.memory_space<semaphore_mem>>)
    %dma_wait3A_591 = arith.constant 47 : i32
    %dma_wait3A_592 = arith.constant 5 : i32
    %dma_wait3A_593 = arith.constant 0 : i32
    %dma_wait3A_594 = arith.constant 0 : i32
    %dma_wait3A_595 = tpu.memref_slice %arg6[%dma_wait3A_592, %dma_wait3A_593, %dma_wait3A_594] : memref<6x128x128xf32, #tpu.memory_space<vmem>> -> memref<1x128x128xf32, #tpu.memory_space<vmem>>
    %dma_wait3A_596 = tpu.memref_squeeze %dma_wait3A_595 : memref<1x128x128xf32, #tpu.memory_space<vmem>> -> memref<128x128xf32, #tpu.memory_space<vmem>>
    %dma_wait3A_597 = arith.constant 0 : i32
    %dma_wait3A_598 = tpu.memref_slice %arg5[%dma_wait3A_591, %dma_wait3A_597] : memref<50x128xi32, #tpu.memory_space<vmem>> -> memref<1x128xi32, #tpu.memory_space<vmem>>
    %dma_wait3A_599 = tpu.memref_squeeze %dma_wait3A_598 : memref<1x128xi32, #tpu.memory_space<vmem>> -> memref<128xi32, #tpu.memory_space<vmem>>
    %dma_wait3A_600 = arith.constant 0 : i32
    %dma_wait3A_601 = arith.constant 0 : i32
    %dma_wait3A_602 = tpu.memref_slice %arg3[%dma_wait3A_600, %dma_wait3A_601] : memref<100000x128xf32, #tpu.memory_space<hbm>> -> memref<100000x128xf32, #tpu.memory_space<hbm>>
    tpu.wait_indirect_dma semaphore(%arg12 : memref<!tpu.dma_semaphore, #tpu.memory_space<semaphore_mem>>) src(%dma_wait3A_602 : memref<100000x128xf32, #tpu.memory_space<hbm>>) dst(%dma_wait3A_596 : memref<128x128xf32, #tpu.memory_space<vmem>>)
    %add3A_603 = arith.constant 6016 : i32
    %add3A_604 = arith.addi %mul3A_2, %add3A_603 : i32
    %dma_start3A_605 = arith.constant 5 : i32
    %dma_start3A_606 = arith.constant 0 : i32
    %dma_start3A_607 = arith.constant 0 : i32
    %dma_start3A_608 = tpu.memref_slice %arg6[%dma_start3A_605, %dma_start3A_606, %dma_start3A_607] : memref<6x128x128xf32, #tpu.memory_space<vmem>> -> memref<1x128x128xf32, #tpu.memory_space<vmem>>
    %dma_start3A_609 = tpu.memref_squeeze %dma_start3A_608 : memref<1x128x128xf32, #tpu.memory_space<vmem>> -> memref<128x128xf32, #tpu.memory_space<vmem>>
    %dma_start3A_610 = arith.constant 0 : i32
    %dma_start3A_611 = tpu.memref_slice %arg4[%add3A_604, %dma_start3A_610] : memref<204800x128xf32, #tpu.memory_space<hbm>> -> memref<128x128xf32, #tpu.memory_space<hbm>>
    %dma_start3A_612 = arith.constant 0 : i32
    %dma_start3A_613 = tpu.memref_slice %arg4[%add3A_604, %dma_start3A_612] : memref<204800x128xf32, #tpu.memory_space<hbm>> -> memref<128x128xf32, #tpu.memory_space<hbm>>
    %dma_start3A_614 = arith.constant 0 : i32
    %dma_start3A_615 = arith.constant 0 : i32
    %dma_start3A_616 = tpu.memref_slice %arg6[%dma_start3A_605, %dma_start3A_614, %dma_start3A_615] : memref<6x128x128xf32, #tpu.memory_space<vmem>> -> memref<1x128x128xf32, #tpu.memory_space<vmem>>
    %dma_start3A_617 = tpu.memref_squeeze %dma_start3A_616 : memref<1x128x128xf32, #tpu.memory_space<vmem>> -> memref<128x128xf32, #tpu.memory_space<vmem>>
    tpu.enqueue_dma source(%dma_start3A_617 : memref<128x128xf32, #tpu.memory_space<vmem>>) target(%dma_start3A_613 : memref<128x128xf32, #tpu.memory_space<hbm>>) target_semaphore(%arg18 : memref<!tpu.dma_semaphore, #tpu.memory_space<semaphore_mem>>)
    %dma_wait3A_618 = arith.constant 48 : i32
    %dma_wait3A_619 = arith.constant 0 : i32
    %dma_wait3A_620 = arith.constant 0 : i32
    %dma_wait3A_621 = arith.constant 0 : i32
    %dma_wait3A_622 = tpu.memref_slice %arg6[%dma_wait3A_619, %dma_wait3A_620, %dma_wait3A_621] : memref<6x128x128xf32, #tpu.memory_space<vmem>> -> memref<1x128x128xf32, #tpu.memory_space<vmem>>
    %dma_wait3A_623 = tpu.memref_squeeze %dma_wait3A_622 : memref<1x128x128xf32, #tpu.memory_space<vmem>> -> memref<128x128xf32, #tpu.memory_space<vmem>>
    %dma_wait3A_624 = arith.constant 0 : i32
    %dma_wait3A_625 = tpu.memref_slice %arg5[%dma_wait3A_618, %dma_wait3A_624] : memref<50x128xi32, #tpu.memory_space<vmem>> -> memref<1x128xi32, #tpu.memory_space<vmem>>
    %dma_wait3A_626 = tpu.memref_squeeze %dma_wait3A_625 : memref<1x128xi32, #tpu.memory_space<vmem>> -> memref<128xi32, #tpu.memory_space<vmem>>
    %dma_wait3A_627 = arith.constant 0 : i32
    %dma_wait3A_628 = arith.constant 0 : i32
    %dma_wait3A_629 = tpu.memref_slice %arg3[%dma_wait3A_627, %dma_wait3A_628] : memref<100000x128xf32, #tpu.memory_space<hbm>> -> memref<100000x128xf32, #tpu.memory_space<hbm>>
    tpu.wait_indirect_dma semaphore(%arg7 : memref<!tpu.dma_semaphore, #tpu.memory_space<semaphore_mem>>) src(%dma_wait3A_629 : memref<100000x128xf32, #tpu.memory_space<hbm>>) dst(%dma_wait3A_623 : memref<128x128xf32, #tpu.memory_space<vmem>>)
    %add3A_630 = arith.constant 6144 : i32
    %add3A_631 = arith.addi %mul3A_2, %add3A_630 : i32
    %dma_start3A_632 = arith.constant 0 : i32
    %dma_start3A_633 = arith.constant 0 : i32
    %dma_start3A_634 = arith.constant 0 : i32
    %dma_start3A_635 = tpu.memref_slice %arg6[%dma_start3A_632, %dma_start3A_633, %dma_start3A_634] : memref<6x128x128xf32, #tpu.memory_space<vmem>> -> memref<1x128x128xf32, #tpu.memory_space<vmem>>
    %dma_start3A_636 = tpu.memref_squeeze %dma_start3A_635 : memref<1x128x128xf32, #tpu.memory_space<vmem>> -> memref<128x128xf32, #tpu.memory_space<vmem>>
    %dma_start3A_637 = arith.constant 0 : i32
    %dma_start3A_638 = tpu.memref_slice %arg4[%add3A_631, %dma_start3A_637] : memref<204800x128xf32, #tpu.memory_space<hbm>> -> memref<128x128xf32, #tpu.memory_space<hbm>>
    %dma_start3A_639 = arith.constant 0 : i32
    %dma_start3A_640 = tpu.memref_slice %arg4[%add3A_631, %dma_start3A_639] : memref<204800x128xf32, #tpu.memory_space<hbm>> -> memref<128x128xf32, #tpu.memory_space<hbm>>
    %dma_start3A_641 = arith.constant 0 : i32
    %dma_start3A_642 = arith.constant 0 : i32
    %dma_start3A_643 = tpu.memref_slice %arg6[%dma_start3A_632, %dma_start3A_641, %dma_start3A_642] : memref<6x128x128xf32, #tpu.memory_space<vmem>> -> memref<1x128x128xf32, #tpu.memory_space<vmem>>
    %dma_start3A_644 = tpu.memref_squeeze %dma_start3A_643 : memref<1x128x128xf32, #tpu.memory_space<vmem>> -> memref<128x128xf32, #tpu.memory_space<vmem>>
    tpu.enqueue_dma source(%dma_start3A_644 : memref<128x128xf32, #tpu.memory_space<vmem>>) target(%dma_start3A_640 : memref<128x128xf32, #tpu.memory_space<hbm>>) target_semaphore(%arg13 : memref<!tpu.dma_semaphore, #tpu.memory_space<semaphore_mem>>)
    %dma_wait3A_645 = arith.constant 49 : i32
    %dma_wait3A_646 = arith.constant 1 : i32
    %dma_wait3A_647 = arith.constant 0 : i32
    %dma_wait3A_648 = arith.constant 0 : i32
    %dma_wait3A_649 = tpu.memref_slice %arg6[%dma_wait3A_646, %dma_wait3A_647, %dma_wait3A_648] : memref<6x128x128xf32, #tpu.memory_space<vmem>> -> memref<1x128x128xf32, #tpu.memory_space<vmem>>
    %dma_wait3A_650 = tpu.memref_squeeze %dma_wait3A_649 : memref<1x128x128xf32, #tpu.memory_space<vmem>> -> memref<128x128xf32, #tpu.memory_space<vmem>>
    %dma_wait3A_651 = arith.constant 0 : i32
    %dma_wait3A_652 = tpu.memref_slice %arg5[%dma_wait3A_645, %dma_wait3A_651] : memref<50x128xi32, #tpu.memory_space<vmem>> -> memref<1x128xi32, #tpu.memory_space<vmem>>
    %dma_wait3A_653 = tpu.memref_squeeze %dma_wait3A_652 : memref<1x128xi32, #tpu.memory_space<vmem>> -> memref<128xi32, #tpu.memory_space<vmem>>
    %dma_wait3A_654 = arith.constant 0 : i32
    %dma_wait3A_655 = arith.constant 0 : i32
    %dma_wait3A_656 = tpu.memref_slice %arg3[%dma_wait3A_654, %dma_wait3A_655] : memref<100000x128xf32, #tpu.memory_space<hbm>> -> memref<100000x128xf32, #tpu.memory_space<hbm>>
    tpu.wait_indirect_dma semaphore(%arg8 : memref<!tpu.dma_semaphore, #tpu.memory_space<semaphore_mem>>) src(%dma_wait3A_656 : memref<100000x128xf32, #tpu.memory_space<hbm>>) dst(%dma_wait3A_650 : memref<128x128xf32, #tpu.memory_space<vmem>>)
    %add3A_657 = arith.constant 6272 : i32
    %add3A_658 = arith.addi %mul3A_2, %add3A_657 : i32
    %dma_start3A_659 = arith.constant 1 : i32
    %dma_start3A_660 = arith.constant 0 : i32
    %dma_start3A_661 = arith.constant 0 : i32
    %dma_start3A_662 = tpu.memref_slice %arg6[%dma_start3A_659, %dma_start3A_660, %dma_start3A_661] : memref<6x128x128xf32, #tpu.memory_space<vmem>> -> memref<1x128x128xf32, #tpu.memory_space<vmem>>
    %dma_start3A_663 = tpu.memref_squeeze %dma_start3A_662 : memref<1x128x128xf32, #tpu.memory_space<vmem>> -> memref<128x128xf32, #tpu.memory_space<vmem>>
    %dma_start3A_664 = arith.constant 0 : i32
    %dma_start3A_665 = tpu.memref_slice %arg4[%add3A_658, %dma_start3A_664] : memref<204800x128xf32, #tpu.memory_space<hbm>> -> memref<128x128xf32, #tpu.memory_space<hbm>>
    %dma_start3A_666 = arith.constant 0 : i32
    %dma_start3A_667 = tpu.memref_slice %arg4[%add3A_658, %dma_start3A_666] : memref<204800x128xf32, #tpu.memory_space<hbm>> -> memref<128x128xf32, #tpu.memory_space<hbm>>
    %dma_start3A_668 = arith.constant 0 : i32
    %dma_start3A_669 = arith.constant 0 : i32
    %dma_start3A_670 = tpu.memref_slice %arg6[%dma_start3A_659, %dma_start3A_668, %dma_start3A_669] : memref<6x128x128xf32, #tpu.memory_space<vmem>> -> memref<1x128x128xf32, #tpu.memory_space<vmem>>
    %dma_start3A_671 = tpu.memref_squeeze %dma_start3A_670 : memref<1x128x128xf32, #tpu.memory_space<vmem>> -> memref<128x128xf32, #tpu.memory_space<vmem>>
    tpu.enqueue_dma source(%dma_start3A_671 : memref<128x128xf32, #tpu.memory_space<vmem>>) target(%dma_start3A_667 : memref<128x128xf32, #tpu.memory_space<hbm>>) target_semaphore(%arg14 : memref<!tpu.dma_semaphore, #tpu.memory_space<semaphore_mem>>)
    %add3A_672 = arith.constant 5632 : i32
    %add3A_673 = arith.addi %mul3A_2, %add3A_672 : i32
    %dma_wait3A_674 = arith.constant 2 : i32
    %dma_wait3A_675 = arith.constant 0 : i32
    %dma_wait3A_676 = arith.constant 0 : i32
    %dma_wait3A_677 = tpu.memref_slice %arg6[%dma_wait3A_674, %dma_wait3A_675, %dma_wait3A_676] : memref<6x128x128xf32, #tpu.memory_space<vmem>> -> memref<1x128x128xf32, #tpu.memory_space<vmem>>
    %dma_wait3A_678 = tpu.memref_squeeze %dma_wait3A_677 : memref<1x128x128xf32, #tpu.memory_space<vmem>> -> memref<128x128xf32, #tpu.memory_space<vmem>>
    %dma_wait3A_679 = arith.constant 0 : i32
    %dma_wait3A_680 = tpu.memref_slice %arg4[%add3A_673, %dma_wait3A_679] : memref<204800x128xf32, #tpu.memory_space<hbm>> -> memref<128x128xf32, #tpu.memory_space<hbm>>
    %dma_wait3A_681 = arith.constant 0 : i32
    %dma_wait3A_682 = tpu.memref_slice %arg4[%add3A_673, %dma_wait3A_681] : memref<204800x128xf32, #tpu.memory_space<hbm>> -> memref<128x128xf32, #tpu.memory_space<hbm>>
    %dma_wait3A_683 = arith.constant 0 : i32
    %dma_wait3A_684 = arith.constant 0 : i32
    %dma_wait3A_685 = tpu.memref_slice %arg6[%dma_wait3A_674, %dma_wait3A_683, %dma_wait3A_684] : memref<6x128x128xf32, #tpu.memory_space<vmem>> -> memref<1x128x128xf32, #tpu.memory_space<vmem>>
    %dma_wait3A_686 = tpu.memref_squeeze %dma_wait3A_685 : memref<1x128x128xf32, #tpu.memory_space<vmem>> -> memref<128x128xf32, #tpu.memory_space<vmem>>
    tpu.wait_dma2 semaphore(%arg15 : memref<!tpu.dma_semaphore, #tpu.memory_space<semaphore_mem>>) src(%dma_wait3A_686 : memref<128x128xf32, #tpu.memory_space<vmem>>) dst(%dma_wait3A_682 : memref<128x128xf32, #tpu.memory_space<hbm>>)
    %add3A_687 = arith.constant 5760 : i32
    %add3A_688 = arith.addi %mul3A_2, %add3A_687 : i32
    %dma_wait3A_689 = arith.constant 3 : i32
    %dma_wait3A_690 = arith.constant 0 : i32
    %dma_wait3A_691 = arith.constant 0 : i32
    %dma_wait3A_692 = tpu.memref_slice %arg6[%dma_wait3A_689, %dma_wait3A_690, %dma_wait3A_691] : memref<6x128x128xf32, #tpu.memory_space<vmem>> -> memref<1x128x128xf32, #tpu.memory_space<vmem>>
    %dma_wait3A_693 = tpu.memref_squeeze %dma_wait3A_692 : memref<1x128x128xf32, #tpu.memory_space<vmem>> -> memref<128x128xf32, #tpu.memory_space<vmem>>
    %dma_wait3A_694 = arith.constant 0 : i32
    %dma_wait3A_695 = tpu.memref_slice %arg4[%add3A_688, %dma_wait3A_694] : memref<204800x128xf32, #tpu.memory_space<hbm>> -> memref<128x128xf32, #tpu.memory_space<hbm>>
    %dma_wait3A_696 = arith.constant 0 : i32
    %dma_wait3A_697 = tpu.memref_slice %arg4[%add3A_688, %dma_wait3A_696] : memref<204800x128xf32, #tpu.memory_space<hbm>> -> memref<128x128xf32, #tpu.memory_space<hbm>>
    %dma_wait3A_698 = arith.constant 0 : i32
    %dma_wait3A_699 = arith.constant 0 : i32
    %dma_wait3A_700 = tpu.memref_slice %arg6[%dma_wait3A_689, %dma_wait3A_698, %dma_wait3A_699] : memref<6x128x128xf32, #tpu.memory_space<vmem>> -> memref<1x128x128xf32, #tpu.memory_space<vmem>>
    %dma_wait3A_701 = tpu.memref_squeeze %dma_wait3A_700 : memref<1x128x128xf32, #tpu.memory_space<vmem>> -> memref<128x128xf32, #tpu.memory_space<vmem>>
    tpu.wait_dma2 semaphore(%arg16 : memref<!tpu.dma_semaphore, #tpu.memory_space<semaphore_mem>>) src(%dma_wait3A_701 : memref<128x128xf32, #tpu.memory_space<vmem>>) dst(%dma_wait3A_697 : memref<128x128xf32, #tpu.memory_space<hbm>>)
    %add3A_702 = arith.constant 5888 : i32
    %add3A_703 = arith.addi %mul3A_2, %add3A_702 : i32
    %dma_wait3A_704 = arith.constant 4 : i32
    %dma_wait3A_705 = arith.constant 0 : i32
    %dma_wait3A_706 = arith.constant 0 : i32
    %dma_wait3A_707 = tpu.memref_slice %arg6[%dma_wait3A_704, %dma_wait3A_705, %dma_wait3A_706] : memref<6x128x128xf32, #tpu.memory_space<vmem>> -> memref<1x128x128xf32, #tpu.memory_space<vmem>>
    %dma_wait3A_708 = tpu.memref_squeeze %dma_wait3A_707 : memref<1x128x128xf32, #tpu.memory_space<vmem>> -> memref<128x128xf32, #tpu.memory_space<vmem>>
    %dma_wait3A_709 = arith.constant 0 : i32
    %dma_wait3A_710 = tpu.memref_slice %arg4[%add3A_703, %dma_wait3A_709] : memref<204800x128xf32, #tpu.memory_space<hbm>> -> memref<128x128xf32, #tpu.memory_space<hbm>>
    %dma_wait3A_711 = arith.constant 0 : i32
    %dma_wait3A_712 = tpu.memref_slice %arg4[%add3A_703, %dma_wait3A_711] : memref<204800x128xf32, #tpu.memory_space<hbm>> -> memref<128x128xf32, #tpu.memory_space<hbm>>
    %dma_wait3A_713 = arith.constant 0 : i32
    %dma_wait3A_714 = arith.constant 0 : i32
    %dma_wait3A_715 = tpu.memref_slice %arg6[%dma_wait3A_704, %dma_wait3A_713, %dma_wait3A_714] : memref<6x128x128xf32, #tpu.memory_space<vmem>> -> memref<1x128x128xf32, #tpu.memory_space<vmem>>
    %dma_wait3A_716 = tpu.memref_squeeze %dma_wait3A_715 : memref<1x128x128xf32, #tpu.memory_space<vmem>> -> memref<128x128xf32, #tpu.memory_space<vmem>>
    tpu.wait_dma2 semaphore(%arg17 : memref<!tpu.dma_semaphore, #tpu.memory_space<semaphore_mem>>) src(%dma_wait3A_716 : memref<128x128xf32, #tpu.memory_space<vmem>>) dst(%dma_wait3A_712 : memref<128x128xf32, #tpu.memory_space<hbm>>)
    %add3A_717 = arith.constant 6016 : i32
    %add3A_718 = arith.addi %mul3A_2, %add3A_717 : i32
    %dma_wait3A_719 = arith.constant 5 : i32
    %dma_wait3A_720 = arith.constant 0 : i32
    %dma_wait3A_721 = arith.constant 0 : i32
    %dma_wait3A_722 = tpu.memref_slice %arg6[%dma_wait3A_719, %dma_wait3A_720, %dma_wait3A_721] : memref<6x128x128xf32, #tpu.memory_space<vmem>> -> memref<1x128x128xf32, #tpu.memory_space<vmem>>
    %dma_wait3A_723 = tpu.memref_squeeze %dma_wait3A_722 : memref<1x128x128xf32, #tpu.memory_space<vmem>> -> memref<128x128xf32, #tpu.memory_space<vmem>>
    %dma_wait3A_724 = arith.constant 0 : i32
    %dma_wait3A_725 = tpu.memref_slice %arg4[%add3A_718, %dma_wait3A_724] : memref<204800x128xf32, #tpu.memory_space<hbm>> -> memref<128x128xf32, #tpu.memory_space<hbm>>
    %dma_wait3A_726 = arith.constant 0 : i32
    %dma_wait3A_727 = tpu.memref_slice %arg4[%add3A_718, %dma_wait3A_726] : memref<204800x128xf32, #tpu.memory_space<hbm>> -> memref<128x128xf32, #tpu.memory_space<hbm>>
    %dma_wait3A_728 = arith.constant 0 : i32
    %dma_wait3A_729 = arith.constant 0 : i32
    %dma_wait3A_730 = tpu.memref_slice %arg6[%dma_wait3A_719, %dma_wait3A_728, %dma_wait3A_729] : memref<6x128x128xf32, #tpu.memory_space<vmem>> -> memref<1x128x128xf32, #tpu.memory_space<vmem>>
    %dma_wait3A_731 = tpu.memref_squeeze %dma_wait3A_730 : memref<1x128x128xf32, #tpu.memory_space<vmem>> -> memref<128x128xf32, #tpu.memory_space<vmem>>
    tpu.wait_dma2 semaphore(%arg18 : memref<!tpu.dma_semaphore, #tpu.memory_space<semaphore_mem>>) src(%dma_wait3A_731 : memref<128x128xf32, #tpu.memory_space<vmem>>) dst(%dma_wait3A_727 : memref<128x128xf32, #tpu.memory_space<hbm>>)
    %add3A_732 = arith.constant 6144 : i32
    %add3A_733 = arith.addi %mul3A_2, %add3A_732 : i32
    %dma_wait3A_734 = arith.constant 0 : i32
    %dma_wait3A_735 = arith.constant 0 : i32
    %dma_wait3A_736 = arith.constant 0 : i32
    %dma_wait3A_737 = tpu.memref_slice %arg6[%dma_wait3A_734, %dma_wait3A_735, %dma_wait3A_736] : memref<6x128x128xf32, #tpu.memory_space<vmem>> -> memref<1x128x128xf32, #tpu.memory_space<vmem>>
    %dma_wait3A_738 = tpu.memref_squeeze %dma_wait3A_737 : memref<1x128x128xf32, #tpu.memory_space<vmem>> -> memref<128x128xf32, #tpu.memory_space<vmem>>
    %dma_wait3A_739 = arith.constant 0 : i32
    %dma_wait3A_740 = tpu.memref_slice %arg4[%add3A_733, %dma_wait3A_739] : memref<204800x128xf32, #tpu.memory_space<hbm>> -> memref<128x128xf32, #tpu.memory_space<hbm>>
    %dma_wait3A_741 = arith.constant 0 : i32
    %dma_wait3A_742 = tpu.memref_slice %arg4[%add3A_733, %dma_wait3A_741] : memref<204800x128xf32, #tpu.memory_space<hbm>> -> memref<128x128xf32, #tpu.memory_space<hbm>>
    %dma_wait3A_743 = arith.constant 0 : i32
    %dma_wait3A_744 = arith.constant 0 : i32
    %dma_wait3A_745 = tpu.memref_slice %arg6[%dma_wait3A_734, %dma_wait3A_743, %dma_wait3A_744] : memref<6x128x128xf32, #tpu.memory_space<vmem>> -> memref<1x128x128xf32, #tpu.memory_space<vmem>>
    %dma_wait3A_746 = tpu.memref_squeeze %dma_wait3A_745 : memref<1x128x128xf32, #tpu.memory_space<vmem>> -> memref<128x128xf32, #tpu.memory_space<vmem>>
    tpu.wait_dma2 semaphore(%arg13 : memref<!tpu.dma_semaphore, #tpu.memory_space<semaphore_mem>>) src(%dma_wait3A_746 : memref<128x128xf32, #tpu.memory_space<vmem>>) dst(%dma_wait3A_742 : memref<128x128xf32, #tpu.memory_space<hbm>>)
    %add3A_747 = arith.constant 6272 : i32
    %add3A_748 = arith.addi %mul3A_2, %add3A_747 : i32
    %dma_wait3A_749 = arith.constant 1 : i32
    %dma_wait3A_750 = arith.constant 0 : i32
    %dma_wait3A_751 = arith.constant 0 : i32
    %dma_wait3A_752 = tpu.memref_slice %arg6[%dma_wait3A_749, %dma_wait3A_750, %dma_wait3A_751] : memref<6x128x128xf32, #tpu.memory_space<vmem>> -> memref<1x128x128xf32, #tpu.memory_space<vmem>>
    %dma_wait3A_753 = tpu.memref_squeeze %dma_wait3A_752 : memref<1x128x128xf32, #tpu.memory_space<vmem>> -> memref<128x128xf32, #tpu.memory_space<vmem>>
    %dma_wait3A_754 = arith.constant 0 : i32
    %dma_wait3A_755 = tpu.memref_slice %arg4[%add3A_748, %dma_wait3A_754] : memref<204800x128xf32, #tpu.memory_space<hbm>> -> memref<128x128xf32, #tpu.memory_space<hbm>>
    %dma_wait3A_756 = arith.constant 0 : i32
    %dma_wait3A_757 = tpu.memref_slice %arg4[%add3A_748, %dma_wait3A_756] : memref<204800x128xf32, #tpu.memory_space<hbm>> -> memref<128x128xf32, #tpu.memory_space<hbm>>
    %dma_wait3A_758 = arith.constant 0 : i32
    %dma_wait3A_759 = arith.constant 0 : i32
    %dma_wait3A_760 = tpu.memref_slice %arg6[%dma_wait3A_749, %dma_wait3A_758, %dma_wait3A_759] : memref<6x128x128xf32, #tpu.memory_space<vmem>> -> memref<1x128x128xf32, #tpu.memory_space<vmem>>
    %dma_wait3A_761 = tpu.memref_squeeze %dma_wait3A_760 : memref<1x128x128xf32, #tpu.memory_space<vmem>> -> memref<128x128xf32, #tpu.memory_space<vmem>>
    tpu.wait_dma2 semaphore(%arg14 : memref<!tpu.dma_semaphore, #tpu.memory_space<semaphore_mem>>) src(%dma_wait3A_761 : memref<128x128xf32, #tpu.memory_space<vmem>>) dst(%dma_wait3A_757 : memref<128x128xf32, #tpu.memory_space<hbm>>)
    return
  }
}

</mosaic_0001>

<sc_bundles>
// kernel: kernel.3.cloned.1.call-start
scs
__scs_entry_jumppad:
0x0: {  	(pc) =	sbr.rel $0x88, $3  }
0x1: {  	(tag) =	ssettag $0x0;
	lr =	simm.s32 $0x1  }
0x2: {  	[smem:$0x3F9E] =	sst lr;
	_ =	strace $0xD0000000  }
0x3: {  	_ = 	snop  }
0x4: {  	_ = 	snop  }
0x5: {  	_ = 	snop  }
0x6: {  	_ = 	snop  }
0x7: {  	_ = 	snop  }
__scs_overlays_trampoline_lowered:
0x8: {  	[smem:$0x3FAD] =	sst s0  }
0x9: {  	[smem:$0x3FAE] =	sst s1  }
0xa: {  	[smem:$0x3FAF] =	sst s2  }
0xb: {  	[smem:$0x3FB0] =	sst s3  }
0xc: {  	[smem:$0x3FB1] =	sst s4  }
0xd: {  	[smem:$0x3FB2] =	sst s5  }
0xe: {  	[smem:$0x3FB3] =	sst s6  }
0xf: {  	[smem:$0x3FB4] =	sst s7  }
0x10: {  	[smem:$0x3FB5] =	sst s8  }
0x11: {  	[smem:$0x3FB6] =	sst s9;
	s0 =	simm.s32 @!p0 $0x0  }
0x12: {  	s1 =	sld [smem:$0x3F9C];
	s0 =	simm.s32 @p0 $0x1  }
0x13: {  	[smem:$0x3FB7] =	sst s0;
	s0 =	simm.s32 @!p1 $0x0  }
0x14: {  	s2 =	sld [smem:$0x3F9B];
	s0 =	simm.s32 @p1 $0x1  }
0x15: {  	[smem:$0x3FB8] =	sst s0;
	s0 =	simm.s32 @!p2 $0x0  }
0x16: {  	s3 =	sld [smem:$0x3FDB];
	s0 =	simm.s32 @p2 $0x1  }
0x17: {  	s4 =	simm.s32 $0x1BF5;
	[smem:$0x3FBA] =	sst s0  }
0x18: {  	s0 =	sld [smem:$0x3F9D];
	_ =	swait.ge [sflag:s4], $0x0  }
0x19: {  	s7 =	sld [smem:$0x3F9E]  }
0x1a: {  	s8 =	sadd.s32 $0xFFFFE003, lr  }
0x1b: {  	s9 =	sadd.s32 $0xFFFFFEF7, lr;
	s5 =	simm.s32 $0xFFFFFFFF;
	p2 =	slt.u32 s8, $0xFFFFF086  }
0x1c: {  	p1 =	slt.u32 s9, $0xF7A;
	s5 =	simm.s32 @!p2 $0x0  }
0x1d: {  	s5 =	simm.s32 @p1 $0x1;
	p0 =	seq.s32 s7, s2  }
0x1e: {  	s7 =	smul.u32 @!p0 $0xF7A, s2;
	p2 =	seq.s32 @!p0 s5, $0x0  }
0x1f: {  	s9 =	smul.u32 $0xF7A, s1;
	s8 =	simm.s32 @!p0 $0x1BF5;
	p2 =	por !p2, p0  }
0x20: {  	[sflag:s8] =	ssyncset.s32 @!p0 $0xFFFFF086;
	s6 =	sadd.s32 @!p0 s3, s7;
	s7 =	simm.s32 @!p0 $0x108  }
0x21: {  	s3 =	sadd.s32 s3, s9;
	s6 =	sadd.s32 @!p0 $0x88, s6;
	s7 =	simm.s32 @p2 $0x1082  }
0x22: {  	[simem:s7], [sflag:s8] =	dma.local @!p0 [hbm:s6], $0xF7A  }
0x23: {  	s9 =	sor.u32 $0xD0000000, s2;
	s6 =	simm.s32 $0x108;
	_ =	swait.ge @!p0 [sflag:s8], $0x0  }
0x24: {  	s3 =	sadd.s32 $0x88, s3;
	s6 =	simm.s32 @!p1 $0x1082;
	[sflag:s4] =	ssyncset.s32 $0xFFFFF086  }
0x25: {  	[simem:s6], [sflag:s4] =	dma.local [hbm:s3], $0xF7A  }
0x26: {  	[smem:$0x3F9E] =	sst s1;
	(tag) =	ssettag s2;
	_ =	strace s9  }
0x27: {  	s1 =	sld [smem:$0x3FAE]  }
0x28: {  	s2 =	sld [smem:$0x3FAF]  }
0x29: {  	s4 =	sld [smem:$0x3FB1]  }
0x2a: {  	p0 =	seq.s32 s5, $0x0;
	s5 =	sld [smem:$0x3FB2]  }
0x2b: {  	s6 =	sld [smem:$0x3FB3]  }
0x2c: {  	s7 =	sld [smem:$0x3FB4]  }
0x2d: {  	s3 =	simm.s32 $0x108;
	s8 =	sld [smem:$0x3FB5]  }
0x2e: {  	s3 =	simm.s32 @!p0 $0x1082;
	s9 =	sld [smem:$0x3FB6]  }
0x2f: {  	lr =	sadd.s32 s0, s3;
	s0 =	sld [smem:$0x3FAD]  }
0x30: {  	s3 =	sld [smem:$0x3FB0]  }
0x31: {  	[smem:$0x3FB9] =	sst s10  }
0x32: {  	s10 =	sld [smem:$0x3FB7];
	_ =	sdelay $0x3  }
0x33: {  	p0 =	seq.s32 s10, $0x1;
	s10 =	sld [smem:$0x3FB9];
	_ =	sdelay $0x3  }
0x34: {  	[smem:$0x3FB9] =	sst s10  }
0x35: {  	s10 =	sld [smem:$0x3FB8];
	_ =	sdelay $0x3  }
0x36: {  	p1 =	seq.s32 s10, $0x1;
	s10 =	sld [smem:$0x3FB9];
	_ =	sdelay $0x3  }
0x37: {  	[smem:$0x3FB9] =	sst s10  }
0x38: {  	s10 =	sld [smem:$0x3FBA]  }
0x39: {  	_ = 	snop;
	(pc) =	sbr.ind lr, $3  }
0x3a: {  	_ = 	snop  }
0x3b: {  	_ = 	snop  }
0x3c: {  	p2 =	seq.s32 s10, $0x1;
	s10 =	sld [smem:$0x3FB9]  }
0x3d: {  	_ =	shalt  }
0x3e: {  	_ =	shalt  }
0x3f: {  	_ =	shalt  }
0x40: {  	_ =	shalt  }
0x41: {  	_ =	shalt  }
0x42: {  	_ =	shalt  }
0x43: {  	_ =	shalt  }
0x44: {  	_ =	shalt  }
0x45: {  	_ =	shalt  }
0x46: {  	_ =	shalt  }
0x47: {  	_ =	shalt  }
0x48: {  	_ =	shalt  }
0x49: {  	_ =	shalt  }
0x4a: {  	_ =	shalt  }
0x4b: {  	_ =	shalt  }
0x4c: {  	_ =	shalt  }
0x4d: {  	_ =	shalt  }
0x4e: {  	_ =	shalt  }
0x4f: {  	_ =	shalt  }
0x50: {  	_ =	shalt  }
0x51: {  	_ =	shalt  }
0x52: {  	_ =	shalt  }
0x53: {  	_ =	shalt  }
0x54: {  	_ =	shalt  }
0x55: {  	_ =	shalt  }
0x56: {  	_ =	shalt  }
0x57: {  	_ =	shalt  }
0x58: {  	_ =	shalt  }
0x59: {  	_ =	shalt  }
0x5a: {  	_ =	shalt  }
0x5b: {  	_ =	shalt  }
0x5c: {  	_ =	shalt  }
0x5d: {  	_ =	shalt  }
0x5e: {  	_ =	shalt  }
0x5f: {  	_ =	shalt  }
0x60: {  	_ =	shalt  }
0x61: {  	_ =	shalt  }
0x62: {  	_ =	shalt  }
0x63: {  	_ =	shalt  }
0x64: {  	_ =	shalt  }
0x65: {  	_ =	shalt  }
0x66: {  	_ =	shalt  }
0x67: {  	_ =	shalt  }
0x68: {  	_ =	shalt  }
0x69: {  	_ =	shalt  }
0x6a: {  	_ =	shalt  }
0x6b: {  	_ =	shalt  }
0x6c: {  	_ =	shalt  }
0x6d: {  	_ =	shalt  }
0x6e: {  	_ =	shalt  }
0x6f: {  	_ =	shalt  }
0x70: {  	_ =	shalt  }
0x71: {  	_ =	shalt  }
0x72: {  	_ =	shalt  }
0x73: {  	_ =	shalt  }
0x74: {  	_ =	shalt  }
0x75: {  	_ =	shalt  }
0x76: {  	_ =	shalt  }
0x77: {  	_ =	shalt  }
0x78: {  	_ =	shalt  }
0x79: {  	_ =	shalt  }
0x7a: {  	_ =	shalt  }
0x7b: {  	_ =	shalt  }
0x7c: {  	_ =	shalt  }
0x7d: {  	_ =	shalt  }
0x7e: {  	_ =	shalt  }
0x7f: {  	_ =	shalt  }
0x80: {  	_ =	shalt  }
0x81: {  	_ =	shalt  }
0x82: {  	_ =	shalt  }
0x83: {  	_ =	shalt  }
0x84: {  	_ =	shalt  }
0x85: {  	_ =	shalt  }
0x86: {  	_ =	shalt  }
0x87: {  	_ =	shalt  }
.Lfunc_end0:
.L_simem_size_0:
called_computation_lowered:
.L_overlay_start_0:
0x88: {  	s2 =	sld [smem:$0x3FD9]  }
0x89: {  	s3 =	sld [smem:$0x3FFE];
	_ =	sdelay $0x1  }
0x8a: {  	s1 =	srdreg.scid  }
0x8b: {  	s0 =	sand.u32 $0x1, s1  }
0x8c: {  	s15 =	sshll.u32 s0, $0xA;
	s2 =	sadd.s32 s3, s2  }
0x8d: {  	s2 =	sadd.s32 s2, s15  }
0x8e: {  	[smem:$0x3FC5] =	sst s2  }
0x8f: {  	_ = 	snop  }
0x90: {  	s2 =	sld [smem:$0x3FD0];
	_ =	sdelay $0x2  }
0x91: {  	s4 =	simm.s32 $0xA;
	s5 =	simm.s32 $0x10;
	s16 =	sld [smem:$0x3FC7]  }
0x92: {  	[smem:s5], [sflag:s4] =	dma.local [hbm:s2], $0x1  }
0x93: {  	_ =	swait.eq [sflag:s4], $0x1  }
0x94: {  	[sflag:s4] =	ssyncset.done $0x0  }
0x95: {  	s17 =	sld [smem:$0x10];
	[sflag:s4] =	ssyncadd.s32 $0xFFFFFFFF  }
0x96: {  	s18 =	sld [smem:$0x11];
	(tm) =	ssettm $0x1  }
0x97: {  	s19 =	sld [smem:$0x3FFB];
	_ =	sdelay $0x3  }
0x98: {  	_ =	strace s19  }
0x99: {  	s5 =	sld [smem:$0x3FFC];
	_ =	sdelay $0x3  }
0x9a: {  	_ =	strace s5  }
0x9b: {  	s5 =	sld [smem:$0x3FFD];
	_ =	sdelay $0x3  }
0x9c: {  	_ =	strace s5  }
0x9d: {  	_ =	strace $0x8FFFFFFF  }
0x9e: {  	s20 =	sld [smem:$0x3FDB];
	_ =	sdelay $0x1  }
0x9f: {  	s6 =	simm.s32 $_scs_section_size  }
0xa0: {  	s7 =	simm.s32 $_size__tile_overlayer_lowered;
	s8 =	simm.s32 $_tile_overlayer_lowered  }
0xa1: {  	s23 =	simm.s32 $0x1BFF;
	s22 =	sshll.u32 s8, $0x1;
	s5 =	sadd.s32 s6, s20  }
0xa2: {  	s9 =	simm.s32 $0x0;
	s21 =	sshll.u32 s7, $0x1;
	s7 =	sadd.s32 s22, s5  }
0xa3: {  	[timem:s9], [sflag:s23] =	dma.local [hbm:s7], s21  }
0xa4: {  	_ =	swait.ge [sflag:s23], s21  }
0xa5: {  	s6 =	ssub.s32 $0x0, s21;
	[sflag:s23] =	ssyncset.done $0x0  }
0xa6: {  	[sflag:s23] =	ssyncadd.s32 s6;
	_ =	sdelay $0x1  }
0xa7: {  	s24 =	simm.s32 $0x1B8B  }
0xa8: {  	_ =	swait.ge [sflag:s24], $0x1  }
0xa9: {  	[sflag:s24] =	ssyncset.done $0x0  }
0xaa: {  	s25 =	simm.s32 $0x1B8E;
	[sflag:s24] =	ssyncadd.s32 $0xFFFFFFFF  }
0xab: {  	s26 =	simm.s32 $execute0_lowered;
	[smem:$0x3FD2] =	sst s25  }
0xac: {  	s6 =	sshll.u32 s26, $0x1;
	_ =	strace $0x80000046;
	[dreg:$0x1] =	wrdreg $0xFFFFFFFF  }
0xad: {  	s28 =	simm.s32 $_size_execute0_lowered;
	s5 =	sadd.s32 s5, s6;
	[dreg:$0x0] =	wrdreg $0x0  }
0xae: {  	s6 =	sshll.u32 s28, $0x1;
	[dreg:$0x2] =	wrdreg s5  }
0xaf: {  	[dreg:$0x3] =	wrdreg s6  }
0xb0: {  	[dreg:$0x4] =	wrdreg $0xC0  }
0xb1: {  	_ =	task [dreg:s9], $0x5FFFF  }
0xb2: {  	[dreg:$0x1] =	wrdreg $0xFFFFFFFF  }
0xb3: {  	[dreg:$0x0] =	wrdreg $0x60  }
0xb4: {  	[dreg:$0x2] =	wrdreg s18  }
0xb5: {  	[dreg:$0x3] =	wrdreg s16  }
0xb6: {  	[dreg:$0x4] =	wrdreg s17  }
0xb7: {  	[dreg:$0x5] =	wrdreg $0x9  }
0xb8: {  	_ =	task.clear_ibuf [dreg:s9], $0x6FFFF;
	_ =	strace $0x90000046  }
0xb9: {  	s29 =	simm.s32 $0x9;
	_ =	strace $0x80000048  }
0xba: {  	_ =	swait.ge [sflag:s29], $0x1  }
0xbb: {  	[sflag:s29] =	ssyncadd.s32 $0xFFFFFFFF  }
0xbc: {  	_ =	strace $0x90000048  }
0xbd: {  	_ =	sfence  }
0xbe: {  	s30 =	sld [smem:$0x0];
	_ =	sdelay $0x2  }
0xbf: {  	s31 =	sshll.u32 s1, $0xD;
	s1 =	sshrl.u32 s1, $0x2  }
0xc0: {  	s3 =	sand.u32 $0x4000, s31;
	s1 =	sadd.s32 s1, s30  }
0xc1: {  	s0 =	sor.u32 s3, s0;
	s1 =	sshll.u32 s1, $0x11  }
0xc2: {  	s0 =	sor.u32 s1, s0  }
0xc3: {  	s0 =	sadd.s32 $0x8F2B, s0  }
0xc4: {  	[sflag:s0] =	ssyncadd.remote.s32 $0x1  }
0xc5: {  	_ =	sfence.sel $0xFFFF  }
0xc6: {  	[dreg:$0x0] =	wrdreg $0xFFFFFFFF;
	(pc) =	sbr.abs _section_cstart, $3  }
0xc7: {  	[dreg:$0x1] =	wrdreg $0xFFFFFFFF  }
0xc8: {  	_ =	task.clear_ibuf [dreg:s9], $0x2FFFF;
	_ =	strace $0x9FFFFFFF  }
0xc9: {  	(tm) =	ssettm $0x7FFFFFFF  }
tec
execute0_lowered:
.L_overlay_start_1:
0x0: {  	(tag) =	ssettag $0x1  }
0x1: {  	s0 =	rddreg [dreg:$0x0]  }
0x2: {  	s1 =	srdreg.scid;
	s10 =	stileid.u32  }
0x3: {  	s2 =	rddreg [dreg:$0x1];
	s1 =	sand.u32 $0x1, s1;
	s3 =	sshll.u32 s10, $0x1  }
0x4: {  	s4 =	rddreg [dreg:$0x2];
	s21 =	smul.u32 $0x32000, s10;
	s5 =	sor.u32 s1, s3  }
0x5: {  	s29 =	simm.s32 $0xDC00;
	s31 =	simm.s32 $0x11C00;
	s6 =	smul.u32 $0x19000, s5  }
0x6: {  	s28 =	simm.s32 $0x2;
	s30 =	simm.s32 $0x7;
	s8 =	smul.u32 $0xC8000, s5  }
0x7: {  	s11 =	simm.s32 $0xB;
	s3 =	simm.s32 $0x0;
	s5 =	smul.u32 $0x380, s5  }
0x8: {  	s10 =	simm.s32 $0x6;
	s7 =	ssub.s32 $0x2, s1;
	[smem:$0x7FF] =	sst s3  }
0x9: {  	s1 =	smul.u32 $0x19000, s1;
	_ =	strace $0x80000047;
	s0 =	sadd.s32 s0, s5  }
0xa: {  	s12 =	sadd.s32 s4, s6;
	s13 =	sshrl.u32 s8, $0x3;
	[dreg:$0x5] =	wrdreg s0  }
0xb: {  	[dreg:$0x4] =	wrdreg s12;
	s14 =	sadd.s32 $0x800, s12;
	s15 =	sadd.s32 s4, s13  }
0xc: {  	s9 =	sshrl.u32 s7, $0x1;
	[dreg:$0x6] =	wrdreg s14;
	s16 =	sadd.s32 $0x1000, s15  }
0xd: {  	s7 =	ssub.s32 s7, s9;
	s17 =	sadd.s32 $0x1800, s15;
	[dreg:$0x7] =	wrdreg s16  }
0xe: {  	s9 =	simm.s32 $0xA;
	s18 =	sadd.s32 $0x2000, s15;
	[dreg:$0x8] =	wrdreg s17  }
0xf: {  	s5 =	simm.s32 $0x8;
	s19 =	sadd.s32 $0x2800, s15;
	[dreg:$0x9] =	wrdreg s18  }
0x10: {  	s8 =	simm.s32 $0x5;
	s20 =	sadd.s32 $0x15000, s15;
	[dreg:$0xa] =	wrdreg s19  }
0x11: {  	s4 =	sadd.s32 s21, s4;
	s6 =	sadd.s32 $0x15800, s15;
	[dreg:$0xb] =	wrdreg s20  }
0x12: {  	s21 =	simm.s32 $0xD;
	s22 =	sadd.s32 $0x16000, s15;
	[dreg:$0xc] =	wrdreg s6  }
0x13: {  	s0 =	simm.s32 $0x3;
	s23 =	sadd.s32 $0x16800, s15;
	[dreg:$0xd] =	wrdreg s22  }
0x14: {  	s12 =	simm.s32 $0xC;
	s24 =	sadd.s32 $0x17000, s15;
	[dreg:$0xe] =	wrdreg s23  }
0x15: {  	s25 =	sadd.s32 $0x17800, s15;
	s26 =	sadd.s32 $0x18000, s15;
	[dreg:$0xf] =	wrdreg s24  }
0x16: {  	s1 =	sadd.s32 s1, s4;
	s4 =	simm.s32 $0x0;
	[dreg:$0x10] =	wrdreg s25  }
0x17: {  	[dreg:$0x11] =	wrdreg s26;
	s18 =	sadd.s32 $0x18800, s15;
	s19 =	smax.u32 s7, $0x1  }
0x18: {  	s15 =	sadd.s32 $0x5800, s1;
	s22 =	simm.s32 $0x80;
	s23 =	simm.s32 $0x1C00  }
0x19: {  	s24 =	simm.s32 $0x5C00;
	s26 =	simm.s32 $0x9C00;
	s1 =	simm.s32 $0x1  }
0x1a: {  	s25 =	simm.s32 $0x15C00;
	s6 =	simm.s32 $0x4;
	s7 =	simm.s32 $0x9  }
.LBB2_1:
0x1b: {  	s13 =	rddreg [dreg:$0x5]  }
0x1c: {  	[tilespmem:s3], [sflag:$0xD] =	stream.linear.gather [hbm4b:s13+s3], $0x1900, $0x38;
	[tilespmem:$0x19C00] =	vst v63  }
0x1d: {  	_ =	swait.ge [sflag:s21], $0x1900  }
0x1e: {  	[sflag:s21] =	ssyncset.done $0x0  }
0x1f: {  	[sflag:s21] =	ssyncadd.s32 $0xFFFFE700  }
0x20: {  	[tilespmem:s23], [sflag:$0x1] =	stream.indirect.gather [hbm4b:s2+s22], $0x80, s3, s22, $0xb8;
	[tilespmem:$0x19C00] =	vst v63  }
0x21: {  	_ = 	snop  }
0x22: {  	[tilespmem:s24], [sflag:$0x2] =	stream.indirect.gather [hbm4b:s2+s22], $0x80, s22, s22, $0xb8;
	[tilespmem:$0x19C00] =	vst v63  }
0x23: {  	s20 =	simm.s32 $0x100  }
0x24: {  	[tilespmem:s26], [sflag:$0x3] =	stream.indirect.gather [hbm4b:s2+s22], $0x80, s20, s22, $0xb8;
	[tilespmem:$0x19C00] =	vst v63  }
0x25: {  	s14 =	simm.s32 $0x180  }
0x26: {  	[tilespmem:s29], [sflag:$0x4] =	stream.indirect.gather [hbm4b:s2+s22], $0x80, s14, s22, $0xb8;
	[tilespmem:$0x19C00] =	vst v63  }
0x27: {  	s16 =	simm.s32 $0x200  }
0x28: {  	[tilespmem:s31], [sflag:$0x5] =	stream.indirect.gather [hbm4b:s2+s22], $0x80, s16, s22, $0xb8;
	[tilespmem:$0x19C00] =	vst v63  }
0x29: {  	_ =	swait.ge [sflag:s1], $0x4000  }
0x2a: {  	[sflag:s1] =	ssyncset.done $0x0  }
0x2b: {  	s17 =	rddreg [dreg:$0x4];
	[sflag:s1] =	ssyncadd.s32 $0xFFFFC000  }
0x2c: {  	[hbm4b:s17+s3] =	stream.linear.scatter [tilespmem:s23], [sflag:$0x7], $0x4000, $0x38;
	[tilespmem:$0x19C00] =	vst v63  }
0x2d: {  	s20 =	simm.s32 $0x280  }
0x2e: {  	[tilespmem:s25], [sflag:$0x6] =	stream.indirect.gather [hbm4b:s2+s22], $0x80, s20, s22, $0xb8;
	[tilespmem:$0x19C00] =	vst v63  }
0x2f: {  	_ =	swait.ge [sflag:s28], $0x4000  }
0x30: {  	[sflag:s28] =	ssyncset.done $0x0  }
0x31: {  	s14 =	rddreg [dreg:$0x6];
	[sflag:s28] =	ssyncadd.s32 $0xFFFFC000  }
0x32: {  	[hbm4b:s14+s3] =	stream.linear.scatter [tilespmem:s24], [sflag:$0x8], $0x4000, $0x38;
	[tilespmem:$0x19C00] =	vst v63  }
0x33: {  	_ =	swait.ge [sflag:s30], $0x4000  }
0x34: {  	[sflag:s30] =	ssyncset.done $0x0  }
0x35: {  	s16 =	simm.s32 $0x300;
	[sflag:s30] =	ssyncadd.s32 $0xFFFFC000  }
0x36: {  	[tilespmem:s23], [sflag:$0x1] =	stream.indirect.gather [hbm4b:s2+s22], $0x80, s16, s22, $0xb8;
	[tilespmem:$0x19C00] =	vst v63  }
0x37: {  	_ =	swait.ge [sflag:s0], $0x4000  }
0x38: {  	[sflag:s0] =	ssyncset.done $0x0  }
0x39: {  	s17 =	rddreg [dreg:$0x7];
	[sflag:s0] =	ssyncadd.s32 $0xFFFFC000  }
0x3a: {  	[hbm4b:s17+s3] =	stream.linear.scatter [tilespmem:s26], [sflag:$0x9], $0x4000, $0x38;
	[tilespmem:$0x19C00] =	vst v63  }
0x3b: {  	_ =	swait.ge [sflag:s5], $0x4000  }
0x3c: {  	[sflag:s5] =	ssyncset.done $0x0  }
0x3d: {  	s20 =	simm.s32 $0x380;
	[sflag:s5] =	ssyncadd.s32 $0xFFFFC000  }
0x3e: {  	[tilespmem:s24], [sflag:$0x2] =	stream.indirect.gather [hbm4b:s2+s22], $0x80, s20, s22, $0xb8;
	[tilespmem:$0x19C00] =	vst v63  }
0x3f: {  	_ =	swait.ge [sflag:s6], $0x4000  }
0x40: {  	[sflag:s6] =	ssyncset.done $0x0  }
0x41: {  	s14 =	rddreg [dreg:$0x8];
	[sflag:s6] =	ssyncadd.s32 $0xFFFFC000  }
0x42: {  	[hbm4b:s14+s3] =	stream.linear.scatter [tilespmem:s29], [sflag:$0xA], $0x4000, $0x38;
	[tilespmem:$0x19C00] =	vst v63  }
0x43: {  	_ =	swait.ge [sflag:s7], $0x4000  }
0x44: {  	[sflag:s7] =	ssyncset.done $0x0  }
0x45: {  	s16 =	simm.s32 $0x400;
	[sflag:s7] =	ssyncadd.s32 $0xFFFFC000  }
0x46: {  	[tilespmem:s26], [sflag:$0x3] =	stream.indirect.gather [hbm4b:s2+s22], $0x80, s16, s22, $0xb8;
	[tilespmem:$0x19C00] =	vst v63  }
0x47: {  	_ =	swait.ge [sflag:s8], $0x4000  }
0x48: {  	[sflag:s8] =	ssyncset.done $0x0  }
0x49: {  	s17 =	rddreg [dreg:$0x9];
	[sflag:s8] =	ssyncadd.s32 $0xFFFFC000  }
0x4a: {  	[hbm4b:s17+s3] =	stream.linear.scatter [tilespmem:s31], [sflag:$0xB], $0x4000, $0x38;
	[tilespmem:$0x19C00] =	vst v63  }
0x4b: {  	_ =	swait.ge [sflag:s9], $0x4000  }
0x4c: {  	[sflag:s9] =	ssyncset.done $0x0  }
0x4d: {  	s20 =	simm.s32 $0x480;
	[sflag:s9] =	ssyncadd.s32 $0xFFFFC000  }
0x4e: {  	[tilespmem:s29], [sflag:$0x4] =	stream.indirect.gather [hbm4b:s2+s22], $0x80, s20, s22, $0xb8;
	[tilespmem:$0x19C00] =	vst v63  }
0x4f: {  	_ =	swait.ge [sflag:s10], $0x4000  }
0x50: {  	[sflag:s10] =	ssyncset.done $0x0  }
0x51: {  	s14 =	rddreg [dreg:$0xa];
	[sflag:s10] =	ssyncadd.s32 $0xFFFFC000  }
0x52: {  	[hbm4b:s14+s3] =	stream.linear.scatter [tilespmem:s25], [sflag:$0xC], $0x4000, $0x38;
	[tilespmem:$0x19C00] =	vst v63  }
0x53: {  	_ =	swait.ge [sflag:s11], $0x4000  }
0x54: {  	[sflag:s11] =	ssyncset.done $0x0  }
0x55: {  	s16 =	simm.s32 $0x500;
	[sflag:s11] =	ssyncadd.s32 $0xFFFFC000  }
0x56: {  	[tilespmem:s31], [sflag:$0x5] =	stream.indirect.gather [hbm4b:s2+s22], $0x80, s16, s22, $0xb8;
	[tilespmem:$0x19C00] =	vst v63  }
0x57: {  	_ =	swait.ge [sflag:s1], $0x4000  }
0x58: {  	[sflag:s1] =	ssyncset.done $0x0  }
0x59: {  	s17 =	sadd.s32 $0xFFFFD800, s15;
	[sflag:s1] =	ssyncadd.s32 $0xFFFFC000  }
0x5a: {  	[hbm4b:s17+s3] =	stream.linear.scatter [tilespmem:s23], [sflag:$0x7], $0x4000, $0x38;
	[tilespmem:$0x19C00] =	vst v63  }
0x5b: {  	_ =	swait.ge [sflag:s12], $0x4000  }
0x5c: {  	[sflag:s12] =	ssyncset.done $0x0  }
0x5d: {  	s20 =	simm.s32 $0x580;
	[sflag:s12] =	ssyncadd.s32 $0xFFFFC000  }
0x5e: {  	[tilespmem:s25], [sflag:$0x6] =	stream.indirect.gather [hbm4b:s2+s22], $0x80, s20, s22, $0xb8;
	[tilespmem:$0x19C00] =	vst v63  }
0x5f: {  	_ =	swait.ge [sflag:s28], $0x4000  }
0x60: {  	[sflag:s28] =	ssyncset.done $0x0  }
0x61: {  	s14 =	sadd.s32 $0xFFFFE000, s15;
	[sflag:s28] =	ssyncadd.s32 $0xFFFFC000  }
0x62: {  	[hbm4b:s14+s3] =	stream.linear.scatter [tilespmem:s24], [sflag:$0x8], $0x4000, $0x38;
	[tilespmem:$0x19C00] =	vst v63  }
0x63: {  	_ =	swait.ge [sflag:s30], $0x4000  }
0x64: {  	[sflag:s30] =	ssyncset.done $0x0  }
0x65: {  	s16 =	simm.s32 $0x600;
	[sflag:s30] =	ssyncadd.s32 $0xFFFFC000  }
0x66: {  	[tilespmem:s23], [sflag:$0x1] =	stream.indirect.gather [hbm4b:s2+s22], $0x80, s16, s22, $0xb8;
	[tilespmem:$0x19C00] =	vst v63  }
0x67: {  	_ =	swait.ge [sflag:s0], $0x4000  }
0x68: {  	[sflag:s0] =	ssyncset.done $0x0  }
0x69: {  	s17 =	sadd.s32 $0xFFFFE800, s15;
	[sflag:s0] =	ssyncadd.s32 $0xFFFFC000  }
0x6a: {  	[hbm4b:s17+s3] =	stream.linear.scatter [tilespmem:s26], [sflag:$0x9], $0x4000, $0x38;
	[tilespmem:$0x19C00] =	vst v63  }
0x6b: {  	_ =	swait.ge [sflag:s5], $0x4000  }
0x6c: {  	[sflag:s5] =	ssyncset.done $0x0  }
0x6d: {  	s20 =	simm.s32 $0x680;
	[sflag:s5] =	ssyncadd.s32 $0xFFFFC000  }
0x6e: {  	[tilespmem:s24], [sflag:$0x2] =	stream.indirect.gather [hbm4b:s2+s22], $0x80, s20, s22, $0xb8;
	[tilespmem:$0x19C00] =	vst v63  }
0x6f: {  	_ =	swait.ge [sflag:s6], $0x4000  }
0x70: {  	[sflag:s6] =	ssyncset.done $0x0  }
0x71: {  	s14 =	sadd.s32 $0xFFFFF000, s15;
	[sflag:s6] =	ssyncadd.s32 $0xFFFFC000  }
0x72: {  	[hbm4b:s14+s3] =	stream.linear.scatter [tilespmem:s29], [sflag:$0xA], $0x4000, $0x38;
	[tilespmem:$0x19C00] =	vst v63  }
0x73: {  	_ =	swait.ge [sflag:s7], $0x4000  }
0x74: {  	[sflag:s7] =	ssyncset.done $0x0  }
0x75: {  	s16 =	simm.s32 $0x700;
	[sflag:s7] =	ssyncadd.s32 $0xFFFFC000  }
0x76: {  	[tilespmem:s26], [sflag:$0x3] =	stream.indirect.gather [hbm4b:s2+s22], $0x80, s16, s22, $0xb8;
	[tilespmem:$0x19C00] =	vst v63  }
0x77: {  	_ =	swait.ge [sflag:s8], $0x4000  }
0x78: {  	[sflag:s8] =	ssyncset.done $0x0  }
0x79: {  	s17 =	sadd.s32 $0xFFFFF800, s15;
	[sflag:s8] =	ssyncadd.s32 $0xFFFFC000  }
0x7a: {  	[hbm4b:s17+s3] =	stream.linear.scatter [tilespmem:s31], [sflag:$0xB], $0x4000, $0x38;
	[tilespmem:$0x19C00] =	vst v63  }
0x7b: {  	_ =	swait.ge [sflag:s9], $0x4000  }
0x7c: {  	[sflag:s9] =	ssyncset.done $0x0  }
0x7d: {  	s20 =	simm.s32 $0x780;
	[sflag:s9] =	ssyncadd.s32 $0xFFFFC000  }
0x7e: {  	[tilespmem:s29], [sflag:$0x4] =	stream.indirect.gather [hbm4b:s2+s22], $0x80, s20, s22, $0xb8;
	[tilespmem:$0x19C00] =	vst v63  }
0x7f: {  	_ =	swait.ge [sflag:s10], $0x4000  }
0x80: {  	s13 =	simm.s32 $0xC00;
	[sflag:s10] =	ssyncset.done $0x0  }
0x81: {  	s14 =	sadd.s32 $0x3000, s15;
	s20 =	smov.u32 s15;
	[sflag:s10] =	ssyncadd.s32 $0xFFFFC000  }
.LBB2_2:
0x82: {  	[hbm4b:s20+s3] =	stream.linear.scatter [tilespmem:s25], [sflag:$0xC], $0x4000, $0x38;
	[tilespmem:$0x19C00] =	vst v63  }
0x83: {  	s16 =	smov.u32 s13;
	s20 =	smov.u32 s14  }
0x84: {  	p0 =	sne.s32 s13, $0x3C00;
	s13 =	sadd.s32 $0xC00, s13;
	_ =	swait.ge [sflag:s11], $0x4000  }
0x85: {  	s16 =	sshra.s32 s16, $0x2;
	[sflag:s11] =	ssyncset.done $0x0  }
0x86: {  	s17 =	sadd.s32 $0x500, s16;
	[sflag:s11] =	ssyncadd.s32 $0xFFFFC000  }
0x87: {  	[tilespmem:s31], [sflag:$0x5] =	stream.indirect.gather [hbm4b:s2+s22], $0x80, s17, s22, $0xb8;
	[tilespmem:$0x19C00] =	vst v63  }
0x88: {  	_ =	swait.ge [sflag:s1], $0x4000  }
0x89: {  	[sflag:s1] =	ssyncset.done $0x0  }
0x8a: {  	s17 =	sadd.s32 $0xFFFFD800, s14;
	[sflag:s1] =	ssyncadd.s32 $0xFFFFC000  }
0x8b: {  	[hbm4b:s17+s3] =	stream.linear.scatter [tilespmem:s23], [sflag:$0x7], $0x4000, $0x38;
	[tilespmem:$0x19C00] =	vst v63  }
0x8c: {  	_ =	swait.ge [sflag:s12], $0x4000  }
0x8d: {  	[sflag:s12] =	ssyncset.done $0x0  }
0x8e: {  	s17 =	sadd.s32 $0x580, s16;
	[sflag:s12] =	ssyncadd.s32 $0xFFFFC000  }
0x8f: {  	[tilespmem:s25], [sflag:$0x6] =	stream.indirect.gather [hbm4b:s2+s22], $0x80, s17, s22, $0xb8;
	[tilespmem:$0x19C00] =	vst v63  }
0x90: {  	_ =	swait.ge [sflag:s28], $0x4000  }
0x91: {  	[sflag:s28] =	ssyncset.done $0x0  }
0x92: {  	s17 =	sadd.s32 $0xFFFFE000, s14;
	[sflag:s28] =	ssyncadd.s32 $0xFFFFC000  }
0x93: {  	[hbm4b:s17+s3] =	stream.linear.scatter [tilespmem:s24], [sflag:$0x8], $0x4000, $0x38;
	[tilespmem:$0x19C00] =	vst v63  }
0x94: {  	_ =	swait.ge [sflag:s30], $0x4000  }
0x95: {  	[sflag:s30] =	ssyncset.done $0x0  }
0x96: {  	s17 =	sadd.s32 $0x600, s16;
	[sflag:s30] =	ssyncadd.s32 $0xFFFFC000  }
0x97: {  	[tilespmem:s23], [sflag:$0x1] =	stream.indirect.gather [hbm4b:s2+s22], $0x80, s17, s22, $0xb8;
	[tilespmem:$0x19C00] =	vst v63  }
0x98: {  	_ =	swait.ge [sflag:s0], $0x4000  }
0x99: {  	[sflag:s0] =	ssyncset.done $0x0  }
0x9a: {  	s17 =	sadd.s32 $0xFFFFE800, s14;
	[sflag:s0] =	ssyncadd.s32 $0xFFFFC000  }
0x9b: {  	[hbm4b:s17+s3] =	stream.linear.scatter [tilespmem:s26], [sflag:$0x9], $0x4000, $0x38;
	[tilespmem:$0x19C00] =	vst v63  }
0x9c: {  	_ =	swait.ge [sflag:s5], $0x4000  }
0x9d: {  	[sflag:s5] =	ssyncset.done $0x0  }
0x9e: {  	s17 =	sadd.s32 $0x680, s16;
	[sflag:s5] =	ssyncadd.s32 $0xFFFFC000  }
0x9f: {  	[tilespmem:s24], [sflag:$0x2] =	stream.indirect.gather [hbm4b:s2+s22], $0x80, s17, s22, $0xb8;
	[tilespmem:$0x19C00] =	vst v63  }
0xa0: {  	_ =	swait.ge [sflag:s6], $0x4000  }
0xa1: {  	[sflag:s6] =	ssyncset.done $0x0  }
0xa2: {  	s17 =	sadd.s32 $0xFFFFF000, s14;
	[sflag:s6] =	ssyncadd.s32 $0xFFFFC000  }
0xa3: {  	[hbm4b:s17+s3] =	stream.linear.scatter [tilespmem:s29], [sflag:$0xA], $0x4000, $0x38;
	[tilespmem:$0x19C00] =	vst v63  }
0xa4: {  	_ =	swait.ge [sflag:s7], $0x4000  }
0xa5: {  	[sflag:s7] =	ssyncset.done $0x0  }
0xa6: {  	s17 =	sadd.s32 $0x700, s16;
	[sflag:s7] =	ssyncadd.s32 $0xFFFFC000  }
0xa7: {  	[tilespmem:s26], [sflag:$0x3] =	stream.indirect.gather [hbm4b:s2+s22], $0x80, s17, s22, $0xb8;
	[tilespmem:$0x19C00] =	vst v63  }
0xa8: {  	_ =	swait.ge [sflag:s8], $0x4000  }
0xa9: {  	[sflag:s8] =	ssyncset.done $0x0  }
0xaa: {  	s17 =	sadd.s32 $0xFFFFF800, s14;
	[sflag:s8] =	ssyncadd.s32 $0xFFFFC000  }
0xab: {  	[hbm4b:s17+s3] =	stream.linear.scatter [tilespmem:s31], [sflag:$0xB], $0x4000, $0x38;
	[tilespmem:$0x19C00] =	vst v63  }
0xac: {  	_ =	swait.ge [sflag:s9], $0x4000  }
0xad: {  	[sflag:s9] =	ssyncset.done $0x0  }
.Ltmp0:
0xae: {  	s16 =	sadd.s32 $0x780, s16;
	[sflag:s9] =	ssyncadd.s32 $0xFFFFC000;
	(pc) =	sbr.rel @p0 .LBB2_2-.Ltmp0, $4  }
0xaf: {  	[tilespmem:s29], [sflag:$0x4] =	stream.indirect.gather [hbm4b:s2+s22], $0x80, s16, s22, $0xb8;
	[tilespmem:$0x19C00] =	vst v63  }
0xb0: {  	_ =	swait.ge [sflag:s10], $0x4000  }
0xb1: {  	[sflag:s10] =	ssyncset.done $0x0  }
0xb2: {  	s14 =	sadd.s32 $0x3000, s14;
	[sflag:s10] =	ssyncadd.s32 $0xFFFFC000  }
0xb3: {  	[hbm4b:s20+s3] =	stream.linear.scatter [tilespmem:s25], [sflag:$0xC], $0x4000, $0x38;
	[tilespmem:$0x19C00] =	vst v63  }
0xb4: {  	_ =	swait.ge [sflag:s11], $0x4000  }
0xb5: {  	[sflag:s11] =	ssyncset.done $0x0  }
0xb6: {  	s13 =	simm.s32 $0x1700;
	[sflag:s11] =	ssyncadd.s32 $0xFFFFC000  }
0xb7: {  	[tilespmem:s31], [sflag:$0x5] =	stream.indirect.gather [hbm4b:s2+s22], $0x80, s13, s22, $0xb8;
	[tilespmem:$0x19C00] =	vst v63  }
0xb8: {  	_ =	swait.ge [sflag:s1], $0x4000  }
0xb9: {  	[sflag:s1] =	ssyncset.done $0x0  }
0xba: {  	s17 =	rddreg [dreg:$0xb];
	[sflag:s1] =	ssyncadd.s32 $0xFFFFC000  }
0xbb: {  	[hbm4b:s17+s3] =	stream.linear.scatter [tilespmem:s23], [sflag:$0x7], $0x4000, $0x38;
	[tilespmem:$0x19C00] =	vst v63  }
0xbc: {  	_ =	swait.ge [sflag:s12], $0x4000  }
0xbd: {  	[sflag:s12] =	ssyncset.done $0x0  }
0xbe: {  	s20 =	simm.s32 $0x1780;
	[sflag:s12] =	ssyncadd.s32 $0xFFFFC000  }
0xbf: {  	[tilespmem:s25], [sflag:$0x6] =	stream.indirect.gather [hbm4b:s2+s22], $0x80, s20, s22, $0xb8;
	[tilespmem:$0x19C00] =	vst v63  }
0xc0: {  	_ =	swait.ge [sflag:s28], $0x4000  }
0xc1: {  	[sflag:s28] =	ssyncset.done $0x0  }
0xc2: {  	s14 =	rddreg [dreg:$0xc];
	[sflag:s28] =	ssyncadd.s32 $0xFFFFC000  }
0xc3: {  	[hbm4b:s14+s3] =	stream.linear.scatter [tilespmem:s24], [sflag:$0x8], $0x4000, $0x38;
	[tilespmem:$0x19C00] =	vst v63  }
0xc4: {  	_ =	swait.ge [sflag:s30], $0x4000  }
0xc5: {  	[sflag:s30] =	ssyncset.done $0x0  }
0xc6: {  	s16 =	simm.s32 $0x1800;
	[sflag:s30] =	ssyncadd.s32 $0xFFFFC000  }
0xc7: {  	[tilespmem:s23], [sflag:$0x1] =	stream.indirect.gather [hbm4b:s2+s22], $0x80, s16, s22, $0xb8;
	[tilespmem:$0x19C00] =	vst v63  }
0xc8: {  	_ =	swait.ge [sflag:s0], $0x4000  }
0xc9: {  	[sflag:s0] =	ssyncset.done $0x0  }
0xca: {  	s17 =	rddreg [dreg:$0xd];
	[sflag:s0] =	ssyncadd.s32 $0xFFFFC000  }
0xcb: {  	[hbm4b:s17+s3] =	stream.linear.scatter [tilespmem:s26], [sflag:$0x9], $0x4000, $0x38;
	[tilespmem:$0x19C00] =	vst v63  }
0xcc: {  	_ =	swait.ge [sflag:s5], $0x4000  }
0xcd: {  	[sflag:s5] =	ssyncset.done $0x0  }
0xce: {  	s20 =	simm.s32 $0x1880;
	[sflag:s5] =	ssyncadd.s32 $0xFFFFC000  }
0xcf: {  	[tilespmem:s24], [sflag:$0x2] =	stream.indirect.gather [hbm4b:s2+s22], $0x80, s20, s22, $0xb8;
	[tilespmem:$0x19C00] =	vst v63  }
0xd0: {  	_ =	swait.ge [sflag:s6], $0x4000  }
0xd1: {  	[sflag:s6] =	ssyncset.done $0x0  }
0xd2: {  	s14 =	rddreg [dreg:$0xe];
	[sflag:s6] =	ssyncadd.s32 $0xFFFFC000  }
0xd3: {  	[hbm4b:s14+s3] =	stream.linear.scatter [tilespmem:s29], [sflag:$0xA], $0x4000, $0x38;
	[tilespmem:$0x19C00] =	vst v63  }
0xd4: {  	_ =	swait.ge [sflag:s8], $0x4000  }
0xd5: {  	[sflag:s8] =	ssyncset.done $0x0  }
0xd6: {  	s16 =	rddreg [dreg:$0xf];
	[sflag:s8] =	ssyncadd.s32 $0xFFFFC000  }
0xd7: {  	[hbm4b:s16+s3] =	stream.linear.scatter [tilespmem:s31], [sflag:$0xB], $0x4000, $0x38;
	[tilespmem:$0x19C00] =	vst v63  }
0xd8: {  	_ =	swait.ge [sflag:s10], $0x4000  }
0xd9: {  	[sflag:s10] =	ssyncset.done $0x0  }
0xda: {  	s17 =	rddreg [dreg:$0x10];
	[sflag:s10] =	ssyncadd.s32 $0xFFFFC000  }
0xdb: {  	[hbm4b:s17+s3] =	stream.linear.scatter [tilespmem:s25], [sflag:$0xC], $0x4000, $0x38;
	[tilespmem:$0x19C00] =	vst v63  }
0xdc: {  	_ =	swait.ge [sflag:s1], $0x4000  }
0xdd: {  	[sflag:s1] =	ssyncset.done $0x0  }
0xde: {  	s20 =	rddreg [dreg:$0x11];
	[sflag:s1] =	ssyncadd.s32 $0xFFFFC000  }
0xdf: {  	[hbm4b:s20+s3] =	stream.linear.scatter [tilespmem:s23], [sflag:$0x7], $0x4000, $0x38;
	[tilespmem:$0x19C00] =	vst v63  }
0xe0: {  	_ =	swait.ge [sflag:s28], $0x4000  }
0xe1: {  	[sflag:s28] =	ssyncset.done $0x0  }
0xe2: {  	[sflag:s28] =	ssyncadd.s32 $0xFFFFC000  }
0xe3: {  	[hbm4b:s18+s3] =	stream.linear.scatter [tilespmem:s24], [sflag:$0x8], $0x4000, $0x38;
	[tilespmem:$0x19C00] =	vst v63  }
0xe4: {  	_ =	swait.ge [sflag:s7], $0x4000  }
0xe5: {  	[sflag:s7] =	ssyncset.done $0x0  }
0xe6: {  	[sflag:s7] =	ssyncadd.s32 $0xFFFFC000  }
0xe7: {  	_ =	swait.ge [sflag:s9], $0x4000  }
0xe8: {  	[sflag:s9] =	ssyncset.done $0x0  }
0xe9: {  	[sflag:s9] =	ssyncadd.s32 $0xFFFFC000  }
0xea: {  	_ =	swait.ge [sflag:s11], $0x4000  }
0xeb: {  	[sflag:s11] =	ssyncset.done $0x0  }
0xec: {  	[sflag:s11] =	ssyncadd.s32 $0xFFFFC000  }
0xed: {  	_ =	swait.ge [sflag:s12], $0x4000  }
0xee: {  	[sflag:s12] =	ssyncset.done $0x0  }
0xef: {  	s4 =	sadd.s32 $0x1, s4;
	[sflag:s12] =	ssyncadd.s32 $0xFFFFC000  }
0xf0: {  	p0 =	sne.s32 s4, s19;
	_ =	swait.ge [sflag:s30], $0x4000  }
.Ltmp1:
0xf1: {  	[sflag:s30] =	ssyncset.done $0x0;
	(pc) =	sbr.rel @p0 .LBB2_1-.Ltmp1, $4  }
0xf2: {  	[sflag:s30] =	ssyncadd.s32 $0xFFFFC000  }
0xf3: {  	_ =	swait.ge [sflag:s5], $0x4000  }
0xf4: {  	[sflag:s5] =	ssyncset.done $0x0  }
0xf5: {  	[sflag:s5] =	ssyncadd.s32 $0xFFFFC000  }
0xf6: {  	_ =	sfence.sel $0x180000  }
0xf7: {  	[bflag:$0x0] =	sbarrier.arrive $0xFFFF  }
0xf8: {  	_ =	strace $0x90000047  }
0xf9: {  	s0 =	stileid.u32;
	[bflag:$0x2] =	sbarrier.arrive $0xFFFF  }
0xfa: {  	p0 =	sne.s32 s0, $0x0;
	s0 =	rddreg [dreg:$0x3]  }
0xfb: {  	s0 =	sadd.s32 @!p0 $0x100000, s0  }
0xfc: {  	[sflag:s0] =	ssyncadd.tile.s32 @!p0 $0x1;
	_ =	shalt  }
.Lfunc_end2:
_tile_overlayer_lowered:
.L_overlay_start_2:
0xfd: {  	(tag) =	ssettag $0x2  }
0xfe: {  	s0 =	rddreg [dreg:$0x0];
	s2 =	stileid.u32  }
0xff: {  	s1 =	rddreg [dreg:$0x1];
	p0 =	sne.s32 s2, $0x0  }
0x100: {  	s3 =	rddreg [dreg:$0x2];
	[bflag:$0x3] =	sbarrier.arrive $0xFFFF;
	s2 =	simm.s32 @!p0 $0x1C0D  }
0x101: {  	[timem:s3], [sflag:s2] =	dma.local @!p0 [hbm:s0], s1  }
0x102: {  	s0 =	simm.s32 @!p0 $0xD  }
0x103: {  	_ =	swait.ge @!p0 [sflag:s0], s1  }
0x104: {  	s1 =	ssub.s32 @!p0 $0x0, s1;
	[sflag:s0] =	ssyncset.done @!p0 $0x0  }
0x105: {  	[sflag:s0] =	ssyncadd.s32 @!p0 s1  }
0x106: {  	[bflag:$0x3] =	sbarrier.arrive $0xFFFF  }
0x107: {  	_ =	shalt  }

</sc_bundles>
